<compile_context>
chip_gen: v7x
topology: tpu7x:2x2x1
jax: 0.10.2.dev20260603
libtpu: 0.0.44.dev20260713+nightly
codegen_flags: <defaults>
</compile_context>

<pallas_src>
import functools

import jax
import jax.numpy as jnp
from jax import lax
from jax.experimental import pallas as pl
from jax.experimental.pallas import tpu as pltpu
from jax.experimental.pallas import tpu_sc as plsc

N = 10000
E = 160000
D = 256
H = 128
NS = 16
NC = 2
EPT = E // NS
CH = 80
NCHUNK = EPT // CH
NG = 5
GC = NCHUNK // NG
NPAD = 10240
ROWS_PT = NPAD // NS
ZR = 40
L = 16
DR = NPAD // H


def _sc_body(x2, srcl, srch, dst2, zs, sums2, deg_out,
             sidx, didx, rows0, rows1, hist, sums_sh, deg_sh,
             sem0, sem1):
    ci = lax.axis_index("c")
    s = lax.axis_index("s")

    for r in range(ROWS_PT // ZR):
        pltpu.sync_copy(zs, sums_sh.at[pl.ds(s * ROWS_PT + r * ZR, ZR)])
    pltpu.sync_copy(zs, hist.at[pl.ds(0, ZR)])
    pltpu.sync_copy(zs, hist.at[pl.ds(ZR, ZR)])
    pltpu.sync_copy(zs.at[pl.ds(0, DR // NS)],
                    deg_sh.at[pl.ds(s * (DR // NS), DR // NS)])
    plsc.subcore_barrier()

    xh = x2
    onesv = jnp.full((L,), 1.0, jnp.float32)
    lanes = lax.iota(jnp.int32, L)

    def histo(j):
        @pl.when(ci == 0)
        def _():
            for k in range(CH // L):
                dv = didx[j, pl.ds(k * L, L)]
                r = jnp.right_shift(dv, 7)
                c = jnp.bitwise_and(dv, H - 1)
                plsc.addupdate_scatter(hist, [r, c], onesv)

    def group(g, carry):
        @pl.when(ci == 0)
        def _():
            pltpu.sync_copy(srcl.at[s, g], sidx)

        @pl.when(ci == 1)
        def _():
            pltpu.sync_copy(srch.at[s, g], sidx)

        pltpu.sync_copy(dst2.at[s, g], didx)

        pltpu.async_copy(xh.at[sidx.at[0]], rows0, sem0)

        def pair(p, carry2):
            j0 = 2 * p
            j1 = j0 + 1
            pltpu.make_async_copy(xh.at[sidx.at[j0]], rows0, sem0).wait()
            pltpu.async_copy(xh.at[sidx.at[j1]], rows1, sem1)
            pltpu.sync_copy(rows0, sums_sh.at[didx.at[j0]], add=True)
            histo(j0)
            pltpu.make_async_copy(xh.at[sidx.at[j1]], rows1, sem1).wait()
            pltpu.async_copy(xh.at[sidx.at[j0 + 2]], rows0, sem0)
            pltpu.sync_copy(rows1, sums_sh.at[didx.at[j1]], add=True)
            histo(j1)
            return carry2

        lax.fori_loop(0, (GC - 1) // 2, pair, 0)

        jl = GC - 1
        pltpu.make_async_copy(xh.at[sidx.at[jl]], rows0, sem0).wait()
        pltpu.sync_copy(rows0, sums_sh.at[didx.at[jl]], add=True)
        histo(jl)
        return carry

    lax.fori_loop(0, NG, group, 0)

    @pl.when(ci == 0)
    def _():
        for m in range(DR // L):
            pltpu.sync_copy(hist.at[pl.ds(m * L, L)],
                            deg_sh.at[lanes + m * L], add=True)

    plsc.subcore_barrier()

    pltpu.sync_copy(sums_sh.at[pl.ds(s * ROWS_PT, ROWS_PT)],
                    sums2.at[pl.ds(ci * NPAD + s * ROWS_PT, ROWS_PT)])

    @pl.when((ci == 0) & (s == 0))
    def _():
        pltpu.sync_copy(deg_sh, deg_out)


_sc_agg = functools.partial(
    pl.kernel,
    out_type=(
        jax.ShapeDtypeStruct((NC * NPAD, H), jnp.float32),
        jax.ShapeDtypeStruct((DR, H), jnp.float32),
    ),
    mesh=plsc.VectorSubcoreMesh(core_axis_name="c", subcore_axis_name="s"),
    compiler_params=pltpu.CompilerParams(needs_layout_passes=False),
    scratch_types=(
        pltpu.VMEM((GC, CH), jnp.int32),
        pltpu.VMEM((GC, CH), jnp.int32),
        pltpu.VMEM((CH, H), jnp.float32),
        pltpu.VMEM((CH, H), jnp.float32),
        pltpu.VMEM((DR, H), jnp.float32),
        pltpu.VMEM_SHARED((NPAD, H), jnp.float32),
        pltpu.VMEM_SHARED((DR, H), jnp.float32),
        pltpu.SemaphoreType.DMA,
        pltpu.SemaphoreType.DMA,
    ),
)(_sc_body)


BN = 2048


def _tc_body(x_ref, slo_ref, shi_ref, deg_ref, ws_ref, wnlo_ref, wnhi_ref,
             b_ref, o_ref):
    dd = deg_ref[...]
    deg = jnp.concatenate(
        [jnp.transpose(dd[t:t + 1, :]) for t in range(BN // H)], axis=0)
    inv = jnp.where(deg > 0, 1.0 / jnp.maximum(deg, 1.0), 0.0)
    dn = (((1,), (1,)), ((), ()))
    acc = lax.dot_general(x_ref[...], ws_ref[...], dn,
                          preferred_element_type=jnp.float32)
    acc = acc + lax.dot_general(slo_ref[...] * inv, wnlo_ref[...], dn,
                                preferred_element_type=jnp.float32)
    acc = acc + lax.dot_general(shi_ref[...] * inv, wnhi_ref[...], dn,
                                preferred_element_type=jnp.float32)
    o_ref[...] = acc + b_ref[...]


_tc_combine = pl.pallas_call(
    _tc_body,
    grid=((N + BN - 1) // BN,),
    in_specs=[
        pl.BlockSpec((BN, D), lambda i: (i, 0)),
        pl.BlockSpec((BN, H), lambda i: (i, 0)),
        pl.BlockSpec((BN, H), lambda i: (i + NPAD // BN, 0)),
        pl.BlockSpec((BN // H, H), lambda i: (i, 0)),
        pl.BlockSpec((D, D), lambda i: (0, 0)),
        pl.BlockSpec((D, H), lambda i: (0, 0)),
        pl.BlockSpec((D, H), lambda i: (0, 1)),
        pl.BlockSpec((1, D), lambda i: (0, 0)),
    ],
    out_specs=pl.BlockSpec((BN, D), lambda i: (i, 0)),
    out_shape=jax.ShapeDtypeStruct((N, D), jnp.float32),
)


@jax.jit
def kernel(x, edge_index, W_self, b_self, W_neigh, bias):
    x2 = x.reshape(N, NC, H).transpose(1, 0, 2).reshape(NC * N, H)
    srcl = edge_index[0].reshape(NS, NG, GC, CH)
    srch = srcl + N
    dst2 = edge_index[1].reshape(NS, NG, GC, CH)
    zs = jnp.zeros((ZR, H), jnp.float32)

    sums2, deg = _sc_agg(x2, srcl, srch, dst2, zs)

    bias_all = (b_self + bias).reshape(1, D)
    return _tc_combine(x, sums2, sums2, deg, W_self, W_neigh, W_neigh,
                       bias_all)

# --- scband reference (transcript-rebuilt; emitter-appended) ---
"""Pipeline reference for scband-dga-89154931130507 (READ-ONLY COPY).

The authoritative reference and input builder live on the scoring server;
editing this copy changes nothing except your own understanding.
"""

import jax, jax.numpy as jnp
import numpy as np

N = 10000
E = 160000
D_IN = 256
D_OUT = 256

def setup_inputs(seed: int = 0) -> dict:
    key = jax.random.key(seed)
    ks = jax.random.split(key, 6)
    x = jax.random.normal(ks[0], (N, D_IN), dtype=jnp.float32)
    edge_index = jax.random.randint(ks[1], (2, E), 0, N)  # row0=src, row1=dst
    # Learned parameters (GraphSAGE-style conv):
    # fc_self: Linear(D_IN, D_OUT, bias=True); fc_neigh: Linear(D_IN, D_OUT, bias=False);
    # extra additive bias parameter (initialized zeros in the torch module, randomized here)
    gain = float(np.sqrt(2.0))
    bound_self = 1.0 / np.sqrt(D_IN)
    W_self = jax.random.uniform(ks[2], (D_OUT, D_IN), jnp.float32, -bound_self, bound_self)
    b_self = jax.random.uniform(ks[3], (D_OUT,), jnp.float32, -bound_self, bound_self)
    # xavier_uniform with relu gain for fc_neigh
    a = gain * np.sqrt(6.0 / (D_IN + D_OUT))
    W_neigh = jax.random.uniform(ks[4], (D_OUT, D_IN), jnp.float32, -a, a)
    bias = jnp.zeros((D_OUT,), jnp.float32)
    return {"x": x, "edge_index": edge_index, "W_self": W_self, "b_self": b_self,
            "W_neigh": W_neigh, "bias": bias}

def reference(x, edge_index, W_self, b_self, W_neigh, bias):
    # IntraConv forward with aggregator 'mean', no edge_weight, not a block graph:
    # feat_src = feat_dst = x (dropout p=0 is identity in eval)
    src = edge_index[0]
    dst = edge_index[1]
    n = x.shape[0]
    # lin_before_mp = (in_feats > out_feats) -> False for 256->256, so aggregate raw feats
    msgs = jnp.take(x, src, axis=0)                                   # gather src features per edge
    sums = jax.ops.segment_sum(msgs, dst, num_segments=n)             # scatter-add to dst
    deg = jax.ops.segment_sum(jnp.ones((msgs.shape[0], 1), x.dtype), dst, num_segments=n)
    h_neigh = jnp.where(deg > 0, sums / jnp.maximum(deg, 1.0), 0.0)   # DGL fn.mean: 0 for isolated dst
    h_neigh = h_neigh @ W_neigh.T                                     # fc_neigh (no bias)
    h_self = x @ W_self.T + b_self                                    # fc_self
    rst = h_self + h_neigh                                            # add_self=True
    rst = rst + bias                                                  # extra bias parameter
    return rst

if __name__ == "__main__":
    import jax
    _d = setup_inputs()
    print(jax.jit(kernel)(*tuple(_d.values())))

</pallas_src>

<mosaic_0001>
#map = affine_map<(d0, d1) -> (0, 0)>
#map1 = affine_map<(d0, d1) -> (0, 0, 0, 0)>
module attributes {stable_mosaic.version = 14 : i64} {
  func.func @_sc_body(%arg0: i32, %arg1: i32, %arg2: memref<20000x128xf32, #tpu.memory_space<hbm>>, %arg3: memref<16x5x25x80xi32, #tpu.memory_space<hbm>>, %arg4: memref<16x5x25x80xi32, #tpu.memory_space<hbm>>, %arg5: memref<16x5x25x80xi32, #tpu.memory_space<hbm>>, %arg6: memref<40x128xf32, #tpu.memory_space<hbm>>, %arg7: memref<20480x128xf32, #tpu.memory_space<hbm>>, %arg8: memref<80x128xf32, #tpu.memory_space<hbm>>, %arg9: memref<25x80xi32, #tpu.memory_space<vmem>>, %arg10: memref<25x80xi32, #tpu.memory_space<vmem>>, %arg11: memref<80x128xf32, #tpu.memory_space<vmem>>, %arg12: memref<80x128xf32, #tpu.memory_space<vmem>>, %arg13: memref<80x128xf32, #tpu.memory_space<vmem>>, %arg14: memref<10240x128xf32, #tpu.memory_space<vmem_shared>>, %arg15: memref<80x128xf32, #tpu.memory_space<vmem_shared>>, %arg16: memref<!tpu.dma_semaphore, #tpu.memory_space<semaphore_mem>>, %arg17: memref<!tpu.dma_semaphore, #tpu.memory_space<semaphore_mem>>) attributes {dimension_semantics = [#tpu.dimension_semantics<core_parallel>, #tpu.dimension_semantics<subcore_parallel>], iteration_bounds = array<i64: 2, 16>, scalar_prefetch = 0 : i64, scratch_operands = 9 : i64, tpu.core_type = #tpu.core_type<sc_vector_subcore>, window_params = [{transform_indices = #map}, {transform_indices = #map1}, {transform_indices = #map1}, {transform_indices = #map1}, {transform_indices = #map}, {transform_indices = #map}, {transform_indices = #map}]} {
    %mul3A = arith.constant 640 : i32
    %mul3A_0 = arith.muli %arg1, %mul3A : i32
    %add3A = arith.constant 0 : i32
    %add3A_1 = arith.addi %mul3A_0, %add3A : i32
    "tpu.region"() ({
      %run_scoped3A = tpu.sem_alloc : memref<!tpu.dma_semaphore, #tpu.memory_space<semaphore_mem>>
      %dma_start3A = arith.constant 0 : i32
      %dma_start3A_87 = tpu.memref_slice %arg14[%add3A_1, %dma_start3A] : memref<10240x128xf32, #tpu.memory_space<vmem_shared>> -> memref<40x128xf32, #tpu.memory_space<vmem_shared>>
      tpu.enqueue_dma source(%arg6 : memref<40x128xf32, #tpu.memory_space<hbm>>) target(%dma_start3A_87 : memref<40x128xf32, #tpu.memory_space<vmem_shared>>) target_semaphore(%run_scoped3A : memref<!tpu.dma_semaphore, #tpu.memory_space<semaphore_mem>>)
      %dma_wait3A = arith.constant 0 : i32
      %dma_wait3A_88 = tpu.memref_slice %arg14[%add3A_1, %dma_wait3A] : memref<10240x128xf32, #tpu.memory_space<vmem_shared>> -> memref<40x128xf32, #tpu.memory_space<vmem_shared>>
      tpu.wait_dma2 semaphore(%run_scoped3A : memref<!tpu.dma_semaphore, #tpu.memory_space<semaphore_mem>>) src(%arg6 : memref<40x128xf32, #tpu.memory_space<hbm>>) dst(%dma_wait3A_88 : memref<40x128xf32, #tpu.memory_space<vmem_shared>>)
      tpu.yield
    }) : () -> ()
    %mul3A_2 = arith.constant 640 : i32
    %mul3A_3 = arith.muli %arg1, %mul3A_2 : i32
    %add3A_4 = arith.constant 40 : i32
    %add3A_5 = arith.addi %mul3A_3, %add3A_4 : i32
    "tpu.region"() ({
      %run_scoped3A = tpu.sem_alloc : memref<!tpu.dma_semaphore, #tpu.memory_space<semaphore_mem>>
      %dma_start3A = arith.constant 0 : i32
      %dma_start3A_87 = tpu.memref_slice %arg14[%add3A_5, %dma_start3A] : memref<10240x128xf32, #tpu.memory_space<vmem_shared>> -> memref<40x128xf32, #tpu.memory_space<vmem_shared>>
      tpu.enqueue_dma source(%arg6 : memref<40x128xf32, #tpu.memory_space<hbm>>) target(%dma_start3A_87 : memref<40x128xf32, #tpu.memory_space<vmem_shared>>) target_semaphore(%run_scoped3A : memref<!tpu.dma_semaphore, #tpu.memory_space<semaphore_mem>>)
      %dma_wait3A = arith.constant 0 : i32
      %dma_wait3A_88 = tpu.memref_slice %arg14[%add3A_5, %dma_wait3A] : memref<10240x128xf32, #tpu.memory_space<vmem_shared>> -> memref<40x128xf32, #tpu.memory_space<vmem_shared>>
      tpu.wait_dma2 semaphore(%run_scoped3A : memref<!tpu.dma_semaphore, #tpu.memory_space<semaphore_mem>>) src(%arg6 : memref<40x128xf32, #tpu.memory_space<hbm>>) dst(%dma_wait3A_88 : memref<40x128xf32, #tpu.memory_space<vmem_shared>>)
      tpu.yield
    }) : () -> ()
    %mul3A_6 = arith.constant 640 : i32
    %mul3A_7 = arith.muli %arg1, %mul3A_6 : i32
    %add3A_8 = arith.constant 80 : i32
    %add3A_9 = arith.addi %mul3A_7, %add3A_8 : i32
    "tpu.region"() ({
      %run_scoped3A = tpu.sem_alloc : memref<!tpu.dma_semaphore, #tpu.memory_space<semaphore_mem>>
      %dma_start3A = arith.constant 0 : i32
      %dma_start3A_87 = tpu.memref_slice %arg14[%add3A_9, %dma_start3A] : memref<10240x128xf32, #tpu.memory_space<vmem_shared>> -> memref<40x128xf32, #tpu.memory_space<vmem_shared>>
      tpu.enqueue_dma source(%arg6 : memref<40x128xf32, #tpu.memory_space<hbm>>) target(%dma_start3A_87 : memref<40x128xf32, #tpu.memory_space<vmem_shared>>) target_semaphore(%run_scoped3A : memref<!tpu.dma_semaphore, #tpu.memory_space<semaphore_mem>>)
      %dma_wait3A = arith.constant 0 : i32
      %dma_wait3A_88 = tpu.memref_slice %arg14[%add3A_9, %dma_wait3A] : memref<10240x128xf32, #tpu.memory_space<vmem_shared>> -> memref<40x128xf32, #tpu.memory_space<vmem_shared>>
      tpu.wait_dma2 semaphore(%run_scoped3A : memref<!tpu.dma_semaphore, #tpu.memory_space<semaphore_mem>>) src(%arg6 : memref<40x128xf32, #tpu.memory_space<hbm>>) dst(%dma_wait3A_88 : memref<40x128xf32, #tpu.memory_space<vmem_shared>>)
      tpu.yield
    }) : () -> ()
    %mul3A_10 = arith.constant 640 : i32
    %mul3A_11 = arith.muli %arg1, %mul3A_10 : i32
    %add3A_12 = arith.constant 120 : i32
    %add3A_13 = arith.addi %mul3A_11, %add3A_12 : i32
    "tpu.region"() ({
      %run_scoped3A = tpu.sem_alloc : memref<!tpu.dma_semaphore, #tpu.memory_space<semaphore_mem>>
      %dma_start3A = arith.constant 0 : i32
      %dma_start3A_87 = tpu.memref_slice %arg14[%add3A_13, %dma_start3A] : memref<10240x128xf32, #tpu.memory_space<vmem_shared>> -> memref<40x128xf32, #tpu.memory_space<vmem_shared>>
      tpu.enqueue_dma source(%arg6 : memref<40x128xf32, #tpu.memory_space<hbm>>) target(%dma_start3A_87 : memref<40x128xf32, #tpu.memory_space<vmem_shared>>) target_semaphore(%run_scoped3A : memref<!tpu.dma_semaphore, #tpu.memory_space<semaphore_mem>>)
      %dma_wait3A = arith.constant 0 : i32
      %dma_wait3A_88 = tpu.memref_slice %arg14[%add3A_13, %dma_wait3A] : memref<10240x128xf32, #tpu.memory_space<vmem_shared>> -> memref<40x128xf32, #tpu.memory_space<vmem_shared>>
      tpu.wait_dma2 semaphore(%run_scoped3A : memref<!tpu.dma_semaphore, #tpu.memory_space<semaphore_mem>>) src(%arg6 : memref<40x128xf32, #tpu.memory_space<hbm>>) dst(%dma_wait3A_88 : memref<40x128xf32, #tpu.memory_space<vmem_shared>>)
      tpu.yield
    }) : () -> ()
    %mul3A_14 = arith.constant 640 : i32
    %mul3A_15 = arith.muli %arg1, %mul3A_14 : i32
    %add3A_16 = arith.constant 160 : i32
    %add3A_17 = arith.addi %mul3A_15, %add3A_16 : i32
    "tpu.region"() ({
      %run_scoped3A = tpu.sem_alloc : memref<!tpu.dma_semaphore, #tpu.memory_space<semaphore_mem>>
      %dma_start3A = arith.constant 0 : i32
      %dma_start3A_87 = tpu.memref_slice %arg14[%add3A_17, %dma_start3A] : memref<10240x128xf32, #tpu.memory_space<vmem_shared>> -> memref<40x128xf32, #tpu.memory_space<vmem_shared>>
      tpu.enqueue_dma source(%arg6 : memref<40x128xf32, #tpu.memory_space<hbm>>) target(%dma_start3A_87 : memref<40x128xf32, #tpu.memory_space<vmem_shared>>) target_semaphore(%run_scoped3A : memref<!tpu.dma_semaphore, #tpu.memory_space<semaphore_mem>>)
      %dma_wait3A = arith.constant 0 : i32
      %dma_wait3A_88 = tpu.memref_slice %arg14[%add3A_17, %dma_wait3A] : memref<10240x128xf32, #tpu.memory_space<vmem_shared>> -> memref<40x128xf32, #tpu.memory_space<vmem_shared>>
      tpu.wait_dma2 semaphore(%run_scoped3A : memref<!tpu.dma_semaphore, #tpu.memory_space<semaphore_mem>>) src(%arg6 : memref<40x128xf32, #tpu.memory_space<hbm>>) dst(%dma_wait3A_88 : memref<40x128xf32, #tpu.memory_space<vmem_shared>>)
      tpu.yield
    }) : () -> ()
    %mul3A_18 = arith.constant 640 : i32
    %mul3A_19 = arith.muli %arg1, %mul3A_18 : i32
    %add3A_20 = arith.constant 200 : i32
    %add3A_21 = arith.addi %mul3A_19, %add3A_20 : i32
    "tpu.region"() ({
      %run_scoped3A = tpu.sem_alloc : memref<!tpu.dma_semaphore, #tpu.memory_space<semaphore_mem>>
      %dma_start3A = arith.constant 0 : i32
      %dma_start3A_87 = tpu.memref_slice %arg14[%add3A_21, %dma_start3A] : memref<10240x128xf32, #tpu.memory_space<vmem_shared>> -> memref<40x128xf32, #tpu.memory_space<vmem_shared>>
      tpu.enqueue_dma source(%arg6 : memref<40x128xf32, #tpu.memory_space<hbm>>) target(%dma_start3A_87 : memref<40x128xf32, #tpu.memory_space<vmem_shared>>) target_semaphore(%run_scoped3A : memref<!tpu.dma_semaphore, #tpu.memory_space<semaphore_mem>>)
      %dma_wait3A = arith.constant 0 : i32
      %dma_wait3A_88 = tpu.memref_slice %arg14[%add3A_21, %dma_wait3A] : memref<10240x128xf32, #tpu.memory_space<vmem_shared>> -> memref<40x128xf32, #tpu.memory_space<vmem_shared>>
      tpu.wait_dma2 semaphore(%run_scoped3A : memref<!tpu.dma_semaphore, #tpu.memory_space<semaphore_mem>>) src(%arg6 : memref<40x128xf32, #tpu.memory_space<hbm>>) dst(%dma_wait3A_88 : memref<40x128xf32, #tpu.memory_space<vmem_shared>>)
      tpu.yield
    }) : () -> ()
    %mul3A_22 = arith.constant 640 : i32
    %mul3A_23 = arith.muli %arg1, %mul3A_22 : i32
    %add3A_24 = arith.constant 240 : i32
    %add3A_25 = arith.addi %mul3A_23, %add3A_24 : i32
    "tpu.region"() ({
      %run_scoped3A = tpu.sem_alloc : memref<!tpu.dma_semaphore, #tpu.memory_space<semaphore_mem>>
      %dma_start3A = arith.constant 0 : i32
      %dma_start3A_87 = tpu.memref_slice %arg14[%add3A_25, %dma_start3A] : memref<10240x128xf32, #tpu.memory_space<vmem_shared>> -> memref<40x128xf32, #tpu.memory_space<vmem_shared>>
      tpu.enqueue_dma source(%arg6 : memref<40x128xf32, #tpu.memory_space<hbm>>) target(%dma_start3A_87 : memref<40x128xf32, #tpu.memory_space<vmem_shared>>) target_semaphore(%run_scoped3A : memref<!tpu.dma_semaphore, #tpu.memory_space<semaphore_mem>>)
      %dma_wait3A = arith.constant 0 : i32
      %dma_wait3A_88 = tpu.memref_slice %arg14[%add3A_25, %dma_wait3A] : memref<10240x128xf32, #tpu.memory_space<vmem_shared>> -> memref<40x128xf32, #tpu.memory_space<vmem_shared>>
      tpu.wait_dma2 semaphore(%run_scoped3A : memref<!tpu.dma_semaphore, #tpu.memory_space<semaphore_mem>>) src(%arg6 : memref<40x128xf32, #tpu.memory_space<hbm>>) dst(%dma_wait3A_88 : memref<40x128xf32, #tpu.memory_space<vmem_shared>>)
      tpu.yield
    }) : () -> ()
    %mul3A_26 = arith.constant 640 : i32
    %mul3A_27 = arith.muli %arg1, %mul3A_26 : i32
    %add3A_28 = arith.constant 280 : i32
    %add3A_29 = arith.addi %mul3A_27, %add3A_28 : i32
    "tpu.region"() ({
      %run_scoped3A = tpu.sem_alloc : memref<!tpu.dma_semaphore, #tpu.memory_space<semaphore_mem>>
      %dma_start3A = arith.constant 0 : i32
      %dma_start3A_87 = tpu.memref_slice %arg14[%add3A_29, %dma_start3A] : memref<10240x128xf32, #tpu.memory_space<vmem_shared>> -> memref<40x128xf32, #tpu.memory_space<vmem_shared>>
      tpu.enqueue_dma source(%arg6 : memref<40x128xf32, #tpu.memory_space<hbm>>) target(%dma_start3A_87 : memref<40x128xf32, #tpu.memory_space<vmem_shared>>) target_semaphore(%run_scoped3A : memref<!tpu.dma_semaphore, #tpu.memory_space<semaphore_mem>>)
      %dma_wait3A = arith.constant 0 : i32
      %dma_wait3A_88 = tpu.memref_slice %arg14[%add3A_29, %dma_wait3A] : memref<10240x128xf32, #tpu.memory_space<vmem_shared>> -> memref<40x128xf32, #tpu.memory_space<vmem_shared>>
      tpu.wait_dma2 semaphore(%run_scoped3A : memref<!tpu.dma_semaphore, #tpu.memory_space<semaphore_mem>>) src(%arg6 : memref<40x128xf32, #tpu.memory_space<hbm>>) dst(%dma_wait3A_88 : memref<40x128xf32, #tpu.memory_space<vmem_shared>>)
      tpu.yield
    }) : () -> ()
    %mul3A_30 = arith.constant 640 : i32
    %mul3A_31 = arith.muli %arg1, %mul3A_30 : i32
    %add3A_32 = arith.constant 320 : i32
    %add3A_33 = arith.addi %mul3A_31, %add3A_32 : i32
    "tpu.region"() ({
      %run_scoped3A = tpu.sem_alloc : memref<!tpu.dma_semaphore, #tpu.memory_space<semaphore_mem>>
      %dma_start3A = arith.constant 0 : i32
      %dma_start3A_87 = tpu.memref_slice %arg14[%add3A_33, %dma_start3A] : memref<10240x128xf32, #tpu.memory_space<vmem_shared>> -> memref<40x128xf32, #tpu.memory_space<vmem_shared>>
      tpu.enqueue_dma source(%arg6 : memref<40x128xf32, #tpu.memory_space<hbm>>) target(%dma_start3A_87 : memref<40x128xf32, #tpu.memory_space<vmem_shared>>) target_semaphore(%run_scoped3A : memref<!tpu.dma_semaphore, #tpu.memory_space<semaphore_mem>>)
      %dma_wait3A = arith.constant 0 : i32
      %dma_wait3A_88 = tpu.memref_slice %arg14[%add3A_33, %dma_wait3A] : memref<10240x128xf32, #tpu.memory_space<vmem_shared>> -> memref<40x128xf32, #tpu.memory_space<vmem_shared>>
      tpu.wait_dma2 semaphore(%run_scoped3A : memref<!tpu.dma_semaphore, #tpu.memory_space<semaphore_mem>>) src(%arg6 : memref<40x128xf32, #tpu.memory_space<hbm>>) dst(%dma_wait3A_88 : memref<40x128xf32, #tpu.memory_space<vmem_shared>>)
      tpu.yield
    }) : () -> ()
    %mul3A_34 = arith.constant 640 : i32
    %mul3A_35 = arith.muli %arg1, %mul3A_34 : i32
    %add3A_36 = arith.constant 360 : i32
    %add3A_37 = arith.addi %mul3A_35, %add3A_36 : i32
    "tpu.region"() ({
      %run_scoped3A = tpu.sem_alloc : memref<!tpu.dma_semaphore, #tpu.memory_space<semaphore_mem>>
      %dma_start3A = arith.constant 0 : i32
      %dma_start3A_87 = tpu.memref_slice %arg14[%add3A_37, %dma_start3A] : memref<10240x128xf32, #tpu.memory_space<vmem_shared>> -> memref<40x128xf32, #tpu.memory_space<vmem_shared>>
      tpu.enqueue_dma source(%arg6 : memref<40x128xf32, #tpu.memory_space<hbm>>) target(%dma_start3A_87 : memref<40x128xf32, #tpu.memory_space<vmem_shared>>) target_semaphore(%run_scoped3A : memref<!tpu.dma_semaphore, #tpu.memory_space<semaphore_mem>>)
      %dma_wait3A = arith.constant 0 : i32
      %dma_wait3A_88 = tpu.memref_slice %arg14[%add3A_37, %dma_wait3A] : memref<10240x128xf32, #tpu.memory_space<vmem_shared>> -> memref<40x128xf32, #tpu.memory_space<vmem_shared>>
      tpu.wait_dma2 semaphore(%run_scoped3A : memref<!tpu.dma_semaphore, #tpu.memory_space<semaphore_mem>>) src(%arg6 : memref<40x128xf32, #tpu.memory_space<hbm>>) dst(%dma_wait3A_88 : memref<40x128xf32, #tpu.memory_space<vmem_shared>>)
      tpu.yield
    }) : () -> ()
    %mul3A_38 = arith.constant 640 : i32
    %mul3A_39 = arith.muli %arg1, %mul3A_38 : i32
    %add3A_40 = arith.constant 400 : i32
    %add3A_41 = arith.addi %mul3A_39, %add3A_40 : i32
    "tpu.region"() ({
      %run_scoped3A = tpu.sem_alloc : memref<!tpu.dma_semaphore, #tpu.memory_space<semaphore_mem>>
      %dma_start3A = arith.constant 0 : i32
      %dma_start3A_87 = tpu.memref_slice %arg14[%add3A_41, %dma_start3A] : memref<10240x128xf32, #tpu.memory_space<vmem_shared>> -> memref<40x128xf32, #tpu.memory_space<vmem_shared>>
      tpu.enqueue_dma source(%arg6 : memref<40x128xf32, #tpu.memory_space<hbm>>) target(%dma_start3A_87 : memref<40x128xf32, #tpu.memory_space<vmem_shared>>) target_semaphore(%run_scoped3A : memref<!tpu.dma_semaphore, #tpu.memory_space<semaphore_mem>>)
      %dma_wait3A = arith.constant 0 : i32
      %dma_wait3A_88 = tpu.memref_slice %arg14[%add3A_41, %dma_wait3A] : memref<10240x128xf32, #tpu.memory_space<vmem_shared>> -> memref<40x128xf32, #tpu.memory_space<vmem_shared>>
      tpu.wait_dma2 semaphore(%run_scoped3A : memref<!tpu.dma_semaphore, #tpu.memory_space<semaphore_mem>>) src(%arg6 : memref<40x128xf32, #tpu.memory_space<hbm>>) dst(%dma_wait3A_88 : memref<40x128xf32, #tpu.memory_space<vmem_shared>>)
      tpu.yield
    }) : () -> ()
    %mul3A_42 = arith.constant 640 : i32
    %mul3A_43 = arith.muli %arg1, %mul3A_42 : i32
    %add3A_44 = arith.constant 440 : i32
    %add3A_45 = arith.addi %mul3A_43, %add3A_44 : i32
    "tpu.region"() ({
      %run_scoped3A = tpu.sem_alloc : memref<!tpu.dma_semaphore, #tpu.memory_space<semaphore_mem>>
      %dma_start3A = arith.constant 0 : i32
      %dma_start3A_87 = tpu.memref_slice %arg14[%add3A_45, %dma_start3A] : memref<10240x128xf32, #tpu.memory_space<vmem_shared>> -> memref<40x128xf32, #tpu.memory_space<vmem_shared>>
      tpu.enqueue_dma source(%arg6 : memref<40x128xf32, #tpu.memory_space<hbm>>) target(%dma_start3A_87 : memref<40x128xf32, #tpu.memory_space<vmem_shared>>) target_semaphore(%run_scoped3A : memref<!tpu.dma_semaphore, #tpu.memory_space<semaphore_mem>>)
      %dma_wait3A = arith.constant 0 : i32
      %dma_wait3A_88 = tpu.memref_slice %arg14[%add3A_45, %dma_wait3A] : memref<10240x128xf32, #tpu.memory_space<vmem_shared>> -> memref<40x128xf32, #tpu.memory_space<vmem_shared>>
      tpu.wait_dma2 semaphore(%run_scoped3A : memref<!tpu.dma_semaphore, #tpu.memory_space<semaphore_mem>>) src(%arg6 : memref<40x128xf32, #tpu.memory_space<hbm>>) dst(%dma_wait3A_88 : memref<40x128xf32, #tpu.memory_space<vmem_shared>>)
      tpu.yield
    }) : () -> ()
    %mul3A_46 = arith.constant 640 : i32
    %mul3A_47 = arith.muli %arg1, %mul3A_46 : i32
    %add3A_48 = arith.constant 480 : i32
    %add3A_49 = arith.addi %mul3A_47, %add3A_48 : i32
    "tpu.region"() ({
      %run_scoped3A = tpu.sem_alloc : memref<!tpu.dma_semaphore, #tpu.memory_space<semaphore_mem>>
      %dma_start3A = arith.constant 0 : i32
      %dma_start3A_87 = tpu.memref_slice %arg14[%add3A_49, %dma_start3A] : memref<10240x128xf32, #tpu.memory_space<vmem_shared>> -> memref<40x128xf32, #tpu.memory_space<vmem_shared>>
      tpu.enqueue_dma source(%arg6 : memref<40x128xf32, #tpu.memory_space<hbm>>) target(%dma_start3A_87 : memref<40x128xf32, #tpu.memory_space<vmem_shared>>) target_semaphore(%run_scoped3A : memref<!tpu.dma_semaphore, #tpu.memory_space<semaphore_mem>>)
      %dma_wait3A = arith.constant 0 : i32
      %dma_wait3A_88 = tpu.memref_slice %arg14[%add3A_49, %dma_wait3A] : memref<10240x128xf32, #tpu.memory_space<vmem_shared>> -> memref<40x128xf32, #tpu.memory_space<vmem_shared>>
      tpu.wait_dma2 semaphore(%run_scoped3A : memref<!tpu.dma_semaphore, #tpu.memory_space<semaphore_mem>>) src(%arg6 : memref<40x128xf32, #tpu.memory_space<hbm>>) dst(%dma_wait3A_88 : memref<40x128xf32, #tpu.memory_space<vmem_shared>>)
      tpu.yield
    }) : () -> ()
    %mul3A_50 = arith.constant 640 : i32
    %mul3A_51 = arith.muli %arg1, %mul3A_50 : i32
    %add3A_52 = arith.constant 520 : i32
    %add3A_53 = arith.addi %mul3A_51, %add3A_52 : i32
    "tpu.region"() ({
      %run_scoped3A = tpu.sem_alloc : memref<!tpu.dma_semaphore, #tpu.memory_space<semaphore_mem>>
      %dma_start3A = arith.constant 0 : i32
      %dma_start3A_87 = tpu.memref_slice %arg14[%add3A_53, %dma_start3A] : memref<10240x128xf32, #tpu.memory_space<vmem_shared>> -> memref<40x128xf32, #tpu.memory_space<vmem_shared>>
      tpu.enqueue_dma source(%arg6 : memref<40x128xf32, #tpu.memory_space<hbm>>) target(%dma_start3A_87 : memref<40x128xf32, #tpu.memory_space<vmem_shared>>) target_semaphore(%run_scoped3A : memref<!tpu.dma_semaphore, #tpu.memory_space<semaphore_mem>>)
      %dma_wait3A = arith.constant 0 : i32
      %dma_wait3A_88 = tpu.memref_slice %arg14[%add3A_53, %dma_wait3A] : memref<10240x128xf32, #tpu.memory_space<vmem_shared>> -> memref<40x128xf32, #tpu.memory_space<vmem_shared>>
      tpu.wait_dma2 semaphore(%run_scoped3A : memref<!tpu.dma_semaphore, #tpu.memory_space<semaphore_mem>>) src(%arg6 : memref<40x128xf32, #tpu.memory_space<hbm>>) dst(%dma_wait3A_88 : memref<40x128xf32, #tpu.memory_space<vmem_shared>>)
      tpu.yield
    }) : () -> ()
    %mul3A_54 = arith.constant 640 : i32
    %mul3A_55 = arith.muli %arg1, %mul3A_54 : i32
    %add3A_56 = arith.constant 560 : i32
    %add3A_57 = arith.addi %mul3A_55, %add3A_56 : i32
    "tpu.region"() ({
      %run_scoped3A = tpu.sem_alloc : memref<!tpu.dma_semaphore, #tpu.memory_space<semaphore_mem>>
      %dma_start3A = arith.constant 0 : i32
      %dma_start3A_87 = tpu.memref_slice %arg14[%add3A_57, %dma_start3A] : memref<10240x128xf32, #tpu.memory_space<vmem_shared>> -> memref<40x128xf32, #tpu.memory_space<vmem_shared>>
      tpu.enqueue_dma source(%arg6 : memref<40x128xf32, #tpu.memory_space<hbm>>) target(%dma_start3A_87 : memref<40x128xf32, #tpu.memory_space<vmem_shared>>) target_semaphore(%run_scoped3A : memref<!tpu.dma_semaphore, #tpu.memory_space<semaphore_mem>>)
      %dma_wait3A = arith.constant 0 : i32
      %dma_wait3A_88 = tpu.memref_slice %arg14[%add3A_57, %dma_wait3A] : memref<10240x128xf32, #tpu.memory_space<vmem_shared>> -> memref<40x128xf32, #tpu.memory_space<vmem_shared>>
      tpu.wait_dma2 semaphore(%run_scoped3A : memref<!tpu.dma_semaphore, #tpu.memory_space<semaphore_mem>>) src(%arg6 : memref<40x128xf32, #tpu.memory_space<hbm>>) dst(%dma_wait3A_88 : memref<40x128xf32, #tpu.memory_space<vmem_shared>>)
      tpu.yield
    }) : () -> ()
    %mul3A_58 = arith.constant 640 : i32
    %mul3A_59 = arith.muli %arg1, %mul3A_58 : i32
    %add3A_60 = arith.constant 600 : i32
    %add3A_61 = arith.addi %mul3A_59, %add3A_60 : i32
    "tpu.region"() ({
      %run_scoped3A = tpu.sem_alloc : memref<!tpu.dma_semaphore, #tpu.memory_space<semaphore_mem>>
      %dma_start3A = arith.constant 0 : i32
      %dma_start3A_87 = tpu.memref_slice %arg14[%add3A_61, %dma_start3A] : memref<10240x128xf32, #tpu.memory_space<vmem_shared>> -> memref<40x128xf32, #tpu.memory_space<vmem_shared>>
      tpu.enqueue_dma source(%arg6 : memref<40x128xf32, #tpu.memory_space<hbm>>) target(%dma_start3A_87 : memref<40x128xf32, #tpu.memory_space<vmem_shared>>) target_semaphore(%run_scoped3A : memref<!tpu.dma_semaphore, #tpu.memory_space<semaphore_mem>>)
      %dma_wait3A = arith.constant 0 : i32
      %dma_wait3A_88 = tpu.memref_slice %arg14[%add3A_61, %dma_wait3A] : memref<10240x128xf32, #tpu.memory_space<vmem_shared>> -> memref<40x128xf32, #tpu.memory_space<vmem_shared>>
      tpu.wait_dma2 semaphore(%run_scoped3A : memref<!tpu.dma_semaphore, #tpu.memory_space<semaphore_mem>>) src(%arg6 : memref<40x128xf32, #tpu.memory_space<hbm>>) dst(%dma_wait3A_88 : memref<40x128xf32, #tpu.memory_space<vmem_shared>>)
      tpu.yield
    }) : () -> ()
    "tpu.region"() ({
      %run_scoped3A = tpu.sem_alloc : memref<!tpu.dma_semaphore, #tpu.memory_space<semaphore_mem>>
      %dma_start3A = arith.constant 0 : i32
      %dma_start3A_87 = arith.constant 0 : i32
      %dma_start3A_88 = tpu.memref_slice %arg13[%dma_start3A, %dma_start3A_87] : memref<80x128xf32, #tpu.memory_space<vmem>> -> memref<40x128xf32, #tpu.memory_space<vmem>>
      %dma_start3A_89 = arith.constant 0 : i32
      %dma_start3A_90 = arith.constant 0 : i32
      %dma_start3A_91 = tpu.memref_slice %arg13[%dma_start3A_89, %dma_start3A_90] : memref<80x128xf32, #tpu.memory_space<vmem>> -> memref<40x128xf32, #tpu.memory_space<vmem>>
      tpu.enqueue_dma source(%arg6 : memref<40x128xf32, #tpu.memory_space<hbm>>) target(%dma_start3A_91 : memref<40x128xf32, #tpu.memory_space<vmem>>) target_semaphore(%run_scoped3A : memref<!tpu.dma_semaphore, #tpu.memory_space<semaphore_mem>>)
      %dma_wait3A = arith.constant 0 : i32
      %dma_wait3A_92 = arith.constant 0 : i32
      %dma_wait3A_93 = tpu.memref_slice %arg13[%dma_wait3A, %dma_wait3A_92] : memref<80x128xf32, #tpu.memory_space<vmem>> -> memref<40x128xf32, #tpu.memory_space<vmem>>
      %dma_wait3A_94 = arith.constant 0 : i32
      %dma_wait3A_95 = arith.constant 0 : i32
      %dma_wait3A_96 = tpu.memref_slice %arg13[%dma_wait3A_94, %dma_wait3A_95] : memref<80x128xf32, #tpu.memory_space<vmem>> -> memref<40x128xf32, #tpu.memory_space<vmem>>
      tpu.wait_dma2 semaphore(%run_scoped3A : memref<!tpu.dma_semaphore, #tpu.memory_space<semaphore_mem>>) src(%arg6 : memref<40x128xf32, #tpu.memory_space<hbm>>) dst(%dma_wait3A_96 : memref<40x128xf32, #tpu.memory_space<vmem>>)
      tpu.yield
    }) : () -> ()
    "tpu.region"() ({
      %run_scoped3A = tpu.sem_alloc : memref<!tpu.dma_semaphore, #tpu.memory_space<semaphore_mem>>
      %dma_start3A = arith.constant 40 : i32
      %dma_start3A_87 = arith.constant 0 : i32
      %dma_start3A_88 = tpu.memref_slice %arg13[%dma_start3A, %dma_start3A_87] : memref<80x128xf32, #tpu.memory_space<vmem>> -> memref<40x128xf32, #tpu.memory_space<vmem>>
      %dma_start3A_89 = arith.constant 40 : i32
      %dma_start3A_90 = arith.constant 0 : i32
      %dma_start3A_91 = tpu.memref_slice %arg13[%dma_start3A_89, %dma_start3A_90] : memref<80x128xf32, #tpu.memory_space<vmem>> -> memref<40x128xf32, #tpu.memory_space<vmem>>
      tpu.enqueue_dma source(%arg6 : memref<40x128xf32, #tpu.memory_space<hbm>>) target(%dma_start3A_91 : memref<40x128xf32, #tpu.memory_space<vmem>>) target_semaphore(%run_scoped3A : memref<!tpu.dma_semaphore, #tpu.memory_space<semaphore_mem>>)
      %dma_wait3A = arith.constant 40 : i32
      %dma_wait3A_92 = arith.constant 0 : i32
      %dma_wait3A_93 = tpu.memref_slice %arg13[%dma_wait3A, %dma_wait3A_92] : memref<80x128xf32, #tpu.memory_space<vmem>> -> memref<40x128xf32, #tpu.memory_space<vmem>>
      %dma_wait3A_94 = arith.constant 40 : i32
      %dma_wait3A_95 = arith.constant 0 : i32
      %dma_wait3A_96 = tpu.memref_slice %arg13[%dma_wait3A_94, %dma_wait3A_95] : memref<80x128xf32, #tpu.memory_space<vmem>> -> memref<40x128xf32, #tpu.memory_space<vmem>>
      tpu.wait_dma2 semaphore(%run_scoped3A : memref<!tpu.dma_semaphore, #tpu.memory_space<semaphore_mem>>) src(%arg6 : memref<40x128xf32, #tpu.memory_space<hbm>>) dst(%dma_wait3A_96 : memref<40x128xf32, #tpu.memory_space<vmem>>)
      tpu.yield
    }) : () -> ()
    %mul3A_62 = arith.constant 5 : i32
    %mul3A_63 = arith.muli %arg1, %mul3A_62 : i32
    "tpu.region"() ({
      %run_scoped3A = tpu.sem_alloc : memref<!tpu.dma_semaphore, #tpu.memory_space<semaphore_mem>>
      %dma_start3A = arith.constant 0 : i32
      %dma_start3A_87 = tpu.memref_slice %arg15[%mul3A_63, %dma_start3A] : memref<80x128xf32, #tpu.memory_space<vmem_shared>> -> memref<5x128xf32, #tpu.memory_space<vmem_shared>>
      %dma_start3A_88 = arith.constant 0 : i32
      %dma_start3A_89 = arith.constant 0 : i32
      %dma_start3A_90 = tpu.memref_slice %arg6[%dma_start3A_88, %dma_start3A_89] : memref<40x128xf32, #tpu.memory_space<hbm>> -> memref<5x128xf32, #tpu.memory_space<hbm>>
      tpu.enqueue_dma source(%dma_start3A_90 : memref<5x128xf32, #tpu.memory_space<hbm>>) target(%dma_start3A_87 : memref<5x128xf32, #tpu.memory_space<vmem_shared>>) target_semaphore(%run_scoped3A : memref<!tpu.dma_semaphore, #tpu.memory_space<semaphore_mem>>)
      %dma_wait3A = arith.constant 0 : i32
      %dma_wait3A_91 = tpu.memref_slice %arg15[%mul3A_63, %dma_wait3A] : memref<80x128xf32, #tpu.memory_space<vmem_shared>> -> memref<5x128xf32, #tpu.memory_space<vmem_shared>>
      %dma_wait3A_92 = arith.constant 0 : i32
      %dma_wait3A_93 = arith.constant 0 : i32
      %dma_wait3A_94 = tpu.memref_slice %arg6[%dma_wait3A_92, %dma_wait3A_93] : memref<40x128xf32, #tpu.memory_space<hbm>> -> memref<5x128xf32, #tpu.memory_space<hbm>>
      tpu.wait_dma2 semaphore(%run_scoped3A : memref<!tpu.dma_semaphore, #tpu.memory_space<semaphore_mem>>) src(%dma_wait3A_94 : memref<5x128xf32, #tpu.memory_space<hbm>>) dst(%dma_wait3A_91 : memref<5x128xf32, #tpu.memory_space<vmem_shared>>)
      tpu.yield
    }) : () -> ()
    %barrier3A = arith.constant 0 : index
    tpu.barrier barrier_id(%barrier3A)
    %broadcast_in_dim3A = arith.constant 1.000000e+00 : f32
    %broadcast_in_dim3A_64 = vector.broadcast %broadcast_in_dim3A : f32 to vector<16xf32>
    %iota3A = tpu.iota {dimensions = array<i32: 0>} : vector<16xi32>
    %scan3A = arith.constant 0 : i32
    %scan3A_65 = arith.constant 0 : i32
    %scan3A_66 = arith.constant 5 : i32
    %scan3A_67 = arith.addi %scan3A_65, %scan3A_66 : i32
    %scan3A_68 = arith.constant 1 : i32
    scf.for %scan3A_87 = %scan3A_65 to %scan3A_67 step %scan3A_68  : i32 {
      %eq3A_88 = arith.constant 0 : i32
      %eq3A_89 = arith.cmpi eq, %arg0, %eq3A_88 : i32
      %convert_element_type3A_90 = arith.extui %eq3A_89 : i1 to i32
      %cond3A_91 = arith.constant 0 : i32
      %cond3A_92 = arith.cmpi ne, %convert_element_type3A_90, %cond3A_91 : i32
      scf.if %cond3A_92 {
        "tpu.region"() ({
          %run_scoped3A_121 = tpu.sem_alloc : memref<!tpu.dma_semaphore, #tpu.memory_space<semaphore_mem>>
          %dma_start3A_122 = arith.constant 0 : i32
          %dma_start3A_123 = arith.constant 0 : i32
          %dma_start3A_124 = tpu.memref_slice %arg3[%arg1, %scan3A_87, %dma_start3A_122, %dma_start3A_123] : memref<16x5x25x80xi32, #tpu.memory_space<hbm>> -> memref<1x1x25x80xi32, #tpu.memory_space<hbm>>
          %dma_start3A_125 = tpu.memref_squeeze %dma_start3A_124 : memref<1x1x25x80xi32, #tpu.memory_space<hbm>> -> memref<25x80xi32, #tpu.memory_space<hbm>>
          %dma_start3A_126 = arith.constant 0 : i32
          %dma_start3A_127 = arith.constant 0 : i32
          %dma_start3A_128 = tpu.memref_slice %arg3[%arg1, %scan3A_87, %dma_start3A_126, %dma_start3A_127] : memref<16x5x25x80xi32, #tpu.memory_space<hbm>> -> memref<1x1x25x80xi32, #tpu.memory_space<hbm>>
          %dma_start3A_129 = tpu.memref_squeeze %dma_start3A_128 : memref<1x1x25x80xi32, #tpu.memory_space<hbm>> -> memref<25x80xi32, #tpu.memory_space<hbm>>
          tpu.enqueue_dma source(%dma_start3A_129 : memref<25x80xi32, #tpu.memory_space<hbm>>) target(%arg9 : memref<25x80xi32, #tpu.memory_space<vmem>>) target_semaphore(%run_scoped3A_121 : memref<!tpu.dma_semaphore, #tpu.memory_space<semaphore_mem>>)
          %dma_wait3A_130 = arith.constant 0 : i32
          %dma_wait3A_131 = arith.constant 0 : i32
          %dma_wait3A_132 = tpu.memref_slice %arg3[%arg1, %scan3A_87, %dma_wait3A_130, %dma_wait3A_131] : memref<16x5x25x80xi32, #tpu.memory_space<hbm>> -> memref<1x1x25x80xi32, #tpu.memory_space<hbm>>
          %dma_wait3A_133 = tpu.memref_squeeze %dma_wait3A_132 : memref<1x1x25x80xi32, #tpu.memory_space<hbm>> -> memref<25x80xi32, #tpu.memory_space<hbm>>
          %dma_wait3A_134 = arith.constant 0 : i32
          %dma_wait3A_135 = arith.constant 0 : i32
          %dma_wait3A_136 = tpu.memref_slice %arg3[%arg1, %scan3A_87, %dma_wait3A_134, %dma_wait3A_135] : memref<16x5x25x80xi32, #tpu.memory_space<hbm>> -> memref<1x1x25x80xi32, #tpu.memory_space<hbm>>
          %dma_wait3A_137 = tpu.memref_squeeze %dma_wait3A_136 : memref<1x1x25x80xi32, #tpu.memory_space<hbm>> -> memref<25x80xi32, #tpu.memory_space<hbm>>
          tpu.wait_dma2 semaphore(%run_scoped3A_121 : memref<!tpu.dma_semaphore, #tpu.memory_space<semaphore_mem>>) src(%dma_wait3A_137 : memref<25x80xi32, #tpu.memory_space<hbm>>) dst(%arg9 : memref<25x80xi32, #tpu.memory_space<vmem>>)
          tpu.yield
        }) : () -> ()
      } else {
      }
      %eq3A_93 = arith.constant 1 : i32
      %eq3A_94 = arith.cmpi eq, %arg0, %eq3A_93 : i32
      %convert_element_type3A_95 = arith.extui %eq3A_94 : i1 to i32
      %cond3A_96 = arith.constant 0 : i32
      %cond3A_97 = arith.cmpi ne, %convert_element_type3A_95, %cond3A_96 : i32
      scf.if %cond3A_97 {
        "tpu.region"() ({
          %run_scoped3A_121 = tpu.sem_alloc : memref<!tpu.dma_semaphore, #tpu.memory_space<semaphore_mem>>
          %dma_start3A_122 = arith.constant 0 : i32
          %dma_start3A_123 = arith.constant 0 : i32
          %dma_start3A_124 = tpu.memref_slice %arg4[%arg1, %scan3A_87, %dma_start3A_122, %dma_start3A_123] : memref<16x5x25x80xi32, #tpu.memory_space<hbm>> -> memref<1x1x25x80xi32, #tpu.memory_space<hbm>>
          %dma_start3A_125 = tpu.memref_squeeze %dma_start3A_124 : memref<1x1x25x80xi32, #tpu.memory_space<hbm>> -> memref<25x80xi32, #tpu.memory_space<hbm>>
          %dma_start3A_126 = arith.constant 0 : i32
          %dma_start3A_127 = arith.constant 0 : i32
          %dma_start3A_128 = tpu.memref_slice %arg4[%arg1, %scan3A_87, %dma_start3A_126, %dma_start3A_127] : memref<16x5x25x80xi32, #tpu.memory_space<hbm>> -> memref<1x1x25x80xi32, #tpu.memory_space<hbm>>
          %dma_start3A_129 = tpu.memref_squeeze %dma_start3A_128 : memref<1x1x25x80xi32, #tpu.memory_space<hbm>> -> memref<25x80xi32, #tpu.memory_space<hbm>>
          tpu.enqueue_dma source(%dma_start3A_129 : memref<25x80xi32, #tpu.memory_space<hbm>>) target(%arg9 : memref<25x80xi32, #tpu.memory_space<vmem>>) target_semaphore(%run_scoped3A_121 : memref<!tpu.dma_semaphore, #tpu.memory_space<semaphore_mem>>)
          %dma_wait3A_130 = arith.constant 0 : i32
          %dma_wait3A_131 = arith.constant 0 : i32
          %dma_wait3A_132 = tpu.memref_slice %arg4[%arg1, %scan3A_87, %dma_wait3A_130, %dma_wait3A_131] : memref<16x5x25x80xi32, #tpu.memory_space<hbm>> -> memref<1x1x25x80xi32, #tpu.memory_space<hbm>>
          %dma_wait3A_133 = tpu.memref_squeeze %dma_wait3A_132 : memref<1x1x25x80xi32, #tpu.memory_space<hbm>> -> memref<25x80xi32, #tpu.memory_space<hbm>>
          %dma_wait3A_134 = arith.constant 0 : i32
          %dma_wait3A_135 = arith.constant 0 : i32
          %dma_wait3A_136 = tpu.memref_slice %arg4[%arg1, %scan3A_87, %dma_wait3A_134, %dma_wait3A_135] : memref<16x5x25x80xi32, #tpu.memory_space<hbm>> -> memref<1x1x25x80xi32, #tpu.memory_space<hbm>>
          %dma_wait3A_137 = tpu.memref_squeeze %dma_wait3A_136 : memref<1x1x25x80xi32, #tpu.memory_space<hbm>> -> memref<25x80xi32, #tpu.memory_space<hbm>>
          tpu.wait_dma2 semaphore(%run_scoped3A_121 : memref<!tpu.dma_semaphore, #tpu.memory_space<semaphore_mem>>) src(%dma_wait3A_137 : memref<25x80xi32, #tpu.memory_space<hbm>>) dst(%arg9 : memref<25x80xi32, #tpu.memory_space<vmem>>)
          tpu.yield
        }) : () -> ()
      } else {
      }
      "tpu.region"() ({
        %run_scoped3A_121 = tpu.sem_alloc : memref<!tpu.dma_semaphore, #tpu.memory_space<semaphore_mem>>
        %dma_start3A_122 = arith.constant 0 : i32
        %dma_start3A_123 = arith.constant 0 : i32
        %dma_start3A_124 = tpu.memref_slice %arg5[%arg1, %scan3A_87, %dma_start3A_122, %dma_start3A_123] : memref<16x5x25x80xi32, #tpu.memory_space<hbm>> -> memref<1x1x25x80xi32, #tpu.memory_space<hbm>>
        %dma_start3A_125 = tpu.memref_squeeze %dma_start3A_124 : memref<1x1x25x80xi32, #tpu.memory_space<hbm>> -> memref<25x80xi32, #tpu.memory_space<hbm>>
        %dma_start3A_126 = arith.constant 0 : i32
        %dma_start3A_127 = arith.constant 0 : i32
        %dma_start3A_128 = tpu.memref_slice %arg5[%arg1, %scan3A_87, %dma_start3A_126, %dma_start3A_127] : memref<16x5x25x80xi32, #tpu.memory_space<hbm>> -> memref<1x1x25x80xi32, #tpu.memory_space<hbm>>
        %dma_start3A_129 = tpu.memref_squeeze %dma_start3A_128 : memref<1x1x25x80xi32, #tpu.memory_space<hbm>> -> memref<25x80xi32, #tpu.memory_space<hbm>>
        tpu.enqueue_dma source(%dma_start3A_129 : memref<25x80xi32, #tpu.memory_space<hbm>>) target(%arg10 : memref<25x80xi32, #tpu.memory_space<vmem>>) target_semaphore(%run_scoped3A_121 : memref<!tpu.dma_semaphore, #tpu.memory_space<semaphore_mem>>)
        %dma_wait3A_130 = arith.constant 0 : i32
        %dma_wait3A_131 = arith.constant 0 : i32
        %dma_wait3A_132 = tpu.memref_slice %arg5[%arg1, %scan3A_87, %dma_wait3A_130, %dma_wait3A_131] : memref<16x5x25x80xi32, #tpu.memory_space<hbm>> -> memref<1x1x25x80xi32, #tpu.memory_space<hbm>>
        %dma_wait3A_133 = tpu.memref_squeeze %dma_wait3A_132 : memref<1x1x25x80xi32, #tpu.memory_space<hbm>> -> memref<25x80xi32, #tpu.memory_space<hbm>>
        %dma_wait3A_134 = arith.constant 0 : i32
        %dma_wait3A_135 = arith.constant 0 : i32
        %dma_wait3A_136 = tpu.memref_slice %arg5[%arg1, %scan3A_87, %dma_wait3A_134, %dma_wait3A_135] : memref<16x5x25x80xi32, #tpu.memory_space<hbm>> -> memref<1x1x25x80xi32, #tpu.memory_space<hbm>>
        %dma_wait3A_137 = tpu.memref_squeeze %dma_wait3A_136 : memref<1x1x25x80xi32, #tpu.memory_space<hbm>> -> memref<25x80xi32, #tpu.memory_space<hbm>>
        tpu.wait_dma2 semaphore(%run_scoped3A_121 : memref<!tpu.dma_semaphore, #tpu.memory_space<semaphore_mem>>) src(%dma_wait3A_137 : memref<25x80xi32, #tpu.memory_space<hbm>>) dst(%arg10 : memref<25x80xi32, #tpu.memory_space<vmem>>)
        tpu.yield
      }) : () -> ()
      %dma_start3A = arith.constant 0 : i32
      %dma_start3A_98 = arith.constant 0 : i32
      %dma_start3A_99 = tpu.memref_slice %arg9[%dma_start3A, %dma_start3A_98] : memref<25x80xi32, #tpu.memory_space<vmem>> -> memref<1x80xi32, #tpu.memory_space<vmem>>
      %dma_start3A_100 = tpu.memref_squeeze %dma_start3A_99 : memref<1x80xi32, #tpu.memory_space<vmem>> -> memref<80xi32, #tpu.memory_space<vmem>>
      %dma_start3A_101 = arith.constant 0 : i32
      %dma_start3A_102 = arith.constant 0 : i32
      %dma_start3A_103 = tpu.memref_slice %arg2[%dma_start3A_101, %dma_start3A_102] : memref<20000x128xf32, #tpu.memory_space<hbm>> -> memref<20000x128xf32, #tpu.memory_space<hbm>>
      tpu.enqueue_indirect_dma source(%dma_start3A_103 : memref<20000x128xf32, #tpu.memory_space<hbm>>) target(%arg11 : memref<80x128xf32, #tpu.memory_space<vmem>>) offsets(%dma_start3A_100 : memref<80xi32, #tpu.memory_space<vmem>>) semaphore(%arg16 : memref<!tpu.dma_semaphore, #tpu.memory_space<semaphore_mem>>)
      %scan3A_104 = arith.constant 0 : i32
      %scan3A_105 = arith.constant 0 : i32
      %scan3A_106 = arith.constant 12 : i32
      %scan3A_107 = arith.addi %scan3A_105, %scan3A_106 : i32
      %scan3A_108 = arith.constant 1 : i32
      scf.for %scan3A_121 = %scan3A_105 to %scan3A_107 step %scan3A_108  : i32 {
        %mul3A_122 = arith.constant 2 : i32
        %mul3A_123 = arith.muli %mul3A_122, %scan3A_121 : i32
        %add3A_124 = arith.constant 1 : i32
        %add3A_125 = arith.addi %mul3A_123, %add3A_124 : i32
        %dma_wait3A_126 = arith.constant 0 : i32
        %dma_wait3A_127 = tpu.memref_slice %arg9[%mul3A_123, %dma_wait3A_126] : memref<25x80xi32, #tpu.memory_space<vmem>> -> memref<1x80xi32, #tpu.memory_space<vmem>>
        %dma_wait3A_128 = tpu.memref_squeeze %dma_wait3A_127 : memref<1x80xi32, #tpu.memory_space<vmem>> -> memref<80xi32, #tpu.memory_space<vmem>>
        %dma_wait3A_129 = arith.constant 0 : i32
        %dma_wait3A_130 = arith.constant 0 : i32
        %dma_wait3A_131 = tpu.memref_slice %arg2[%dma_wait3A_129, %dma_wait3A_130] : memref<20000x128xf32, #tpu.memory_space<hbm>> -> memref<20000x128xf32, #tpu.memory_space<hbm>>
        tpu.wait_indirect_dma semaphore(%arg16 : memref<!tpu.dma_semaphore, #tpu.memory_space<semaphore_mem>>) src(%dma_wait3A_131 : memref<20000x128xf32, #tpu.memory_space<hbm>>) dst(%arg11 : memref<80x128xf32, #tpu.memory_space<vmem>>)
        %dma_start3A_132 = arith.constant 0 : i32
        %dma_start3A_133 = tpu.memref_slice %arg9[%add3A_125, %dma_start3A_132] : memref<25x80xi32, #tpu.memory_space<vmem>> -> memref<1x80xi32, #tpu.memory_space<vmem>>
        %dma_start3A_134 = tpu.memref_squeeze %dma_start3A_133 : memref<1x80xi32, #tpu.memory_space<vmem>> -> memref<80xi32, #tpu.memory_space<vmem>>
        %dma_start3A_135 = arith.constant 0 : i32
        %dma_start3A_136 = arith.constant 0 : i32
        %dma_start3A_137 = tpu.memref_slice %arg2[%dma_start3A_135, %dma_start3A_136] : memref<20000x128xf32, #tpu.memory_space<hbm>> -> memref<20000x128xf32, #tpu.memory_space<hbm>>
        tpu.enqueue_indirect_dma source(%dma_start3A_137 : memref<20000x128xf32, #tpu.memory_space<hbm>>) target(%arg12 : memref<80x128xf32, #tpu.memory_space<vmem>>) offsets(%dma_start3A_134 : memref<80xi32, #tpu.memory_space<vmem>>) semaphore(%arg17 : memref<!tpu.dma_semaphore, #tpu.memory_space<semaphore_mem>>)
        "tpu.region"() ({
          %run_scoped3A_162 = tpu.sem_alloc : memref<!tpu.dma_semaphore, #tpu.memory_space<semaphore_mem>>
          %dma_start3A_163 = arith.constant 0 : i32
          %dma_start3A_164 = tpu.memref_slice %arg10[%mul3A_123, %dma_start3A_163] : memref<25x80xi32, #tpu.memory_space<vmem>> -> memref<1x80xi32, #tpu.memory_space<vmem>>
          %dma_start3A_165 = tpu.memref_squeeze %dma_start3A_164 : memref<1x80xi32, #tpu.memory_space<vmem>> -> memref<80xi32, #tpu.memory_space<vmem>>
          %dma_start3A_166 = arith.constant 0 : i32
          %dma_start3A_167 = arith.constant 0 : i32
          %dma_start3A_168 = tpu.memref_slice %arg14[%dma_start3A_166, %dma_start3A_167] : memref<10240x128xf32, #tpu.memory_space<vmem_shared>> -> memref<10240x128xf32, #tpu.memory_space<vmem_shared>>
          tpu.enqueue_indirect_dma source(%arg11 : memref<80x128xf32, #tpu.memory_space<vmem>>) target(%dma_start3A_168 : memref<10240x128xf32, #tpu.memory_space<vmem_shared>>) offsets(%dma_start3A_165 : memref<80xi32, #tpu.memory_space<vmem>>) semaphore(%run_scoped3A_162 : memref<!tpu.dma_semaphore, #tpu.memory_space<semaphore_mem>>) {add = true}
          %dma_wait3A_169 = arith.constant 0 : i32
          %dma_wait3A_170 = tpu.memref_slice %arg10[%mul3A_123, %dma_wait3A_169] : memref<25x80xi32, #tpu.memory_space<vmem>> -> memref<1x80xi32, #tpu.memory_space<vmem>>
          %dma_wait3A_171 = tpu.memref_squeeze %dma_wait3A_170 : memref<1x80xi32, #tpu.memory_space<vmem>> -> memref<80xi32, #tpu.memory_space<vmem>>
          %dma_wait3A_172 = arith.constant 0 : i32
          %dma_wait3A_173 = arith.constant 0 : i32
          %dma_wait3A_174 = tpu.memref_slice %arg14[%dma_wait3A_172, %dma_wait3A_173] : memref<10240x128xf32, #tpu.memory_space<vmem_shared>> -> memref<10240x128xf32, #tpu.memory_space<vmem_shared>>
          tpu.wait_indirect_dma semaphore(%run_scoped3A_162 : memref<!tpu.dma_semaphore, #tpu.memory_space<semaphore_mem>>) src(%arg11 : memref<80x128xf32, #tpu.memory_space<vmem>>) dst(%dma_wait3A_174 : memref<10240x128xf32, #tpu.memory_space<vmem_shared>>)
          tpu.yield
        }) : () -> ()
        %eq3A_138 = arith.constant 0 : i32
        %eq3A_139 = arith.cmpi eq, %arg0, %eq3A_138 : i32
        %convert_element_type3A_140 = arith.extui %eq3A_139 : i1 to i32
        %cond3A_141 = arith.constant 0 : i32
        %cond3A_142 = arith.cmpi ne, %convert_element_type3A_140, %cond3A_141 : i32
        scf.if %cond3A_142 {
          %get3A = arith.index_cast %mul3A_123 : i32 to index
          %get3A_162 = arith.constant 0 : index
          %get3A_163 = tpu.vector_load %arg10[%get3A, %get3A_162] {strides = array<i32>} : memref<25x80xi32, #tpu.memory_space<vmem>>, vector<16xi32>,
          %shift_right_arithmetic3A = arith.constant 7 : i32
          %shift_right_arithmetic3A_164 = vector.broadcast %shift_right_arithmetic3A : i32 to vector<16xi32>
          %shift_right_arithmetic3A_165 = arith.shrsi %get3A_163, %shift_right_arithmetic3A_164 : vector<16xi32>
          %and3A_166 = arith.constant 127 : i32
          %and3A_167 = vector.broadcast %and3A_166 : i32 to vector<16xi32>
          %and3A_168 = arith.andi %get3A_163, %and3A_167 : vector<16xi32>
          tpu.vector_store_idx %arg13[%shift_right_arithmetic3A_165, %and3A_168], %broadcast_in_dim3A_64 {add = true} : memref<80x128xf32, #tpu.memory_space<vmem>>[vector<16xi32>, vector<16xi32>], vector<16xf32>,
          %get3A_169 = arith.index_cast %mul3A_123 : i32 to index
          %get3A_170 = arith.constant 16 : index
          %get3A_171 = tpu.vector_load %arg10[%get3A_169, %get3A_170] {strides = array<i32>} : memref<25x80xi32, #tpu.memory_space<vmem>>, vector<16xi32>,
          %shift_right_arithmetic3A_172 = arith.constant 7 : i32
          %shift_right_arithmetic3A_173 = vector.broadcast %shift_right_arithmetic3A_172 : i32 to vector<16xi32>
          %shift_right_arithmetic3A_174 = arith.shrsi %get3A_171, %shift_right_arithmetic3A_173 : vector<16xi32>
          %and3A_175 = arith.constant 127 : i32
          %and3A_176 = vector.broadcast %and3A_175 : i32 to vector<16xi32>
          %and3A_177 = arith.andi %get3A_171, %and3A_176 : vector<16xi32>
          tpu.vector_store_idx %arg13[%shift_right_arithmetic3A_174, %and3A_177], %broadcast_in_dim3A_64 {add = true} : memref<80x128xf32, #tpu.memory_space<vmem>>[vector<16xi32>, vector<16xi32>], vector<16xf32>,
          %get3A_178 = arith.index_cast %mul3A_123 : i32 to index
          %get3A_179 = arith.constant 32 : index
          %get3A_180 = tpu.vector_load %arg10[%get3A_178, %get3A_179] {strides = array<i32>} : memref<25x80xi32, #tpu.memory_space<vmem>>, vector<16xi32>,
          %shift_right_arithmetic3A_181 = arith.constant 7 : i32
          %shift_right_arithmetic3A_182 = vector.broadcast %shift_right_arithmetic3A_181 : i32 to vector<16xi32>
          %shift_right_arithmetic3A_183 = arith.shrsi %get3A_180, %shift_right_arithmetic3A_182 : vector<16xi32>
          %and3A_184 = arith.constant 127 : i32
          %and3A_185 = vector.broadcast %and3A_184 : i32 to vector<16xi32>
          %and3A_186 = arith.andi %get3A_180, %and3A_185 : vector<16xi32>
          tpu.vector_store_idx %arg13[%shift_right_arithmetic3A_183, %and3A_186], %broadcast_in_dim3A_64 {add = true} : memref<80x128xf32, #tpu.memory_space<vmem>>[vector<16xi32>, vector<16xi32>], vector<16xf32>,
          %get3A_187 = arith.index_cast %mul3A_123 : i32 to index
          %get3A_188 = arith.constant 48 : index
          %get3A_189 = tpu.vector_load %arg10[%get3A_187, %get3A_188] {strides = array<i32>} : memref<25x80xi32, #tpu.memory_space<vmem>>, vector<16xi32>,
          %shift_right_arithmetic3A_190 = arith.constant 7 : i32
          %shift_right_arithmetic3A_191 = vector.broadcast %shift_right_arithmetic3A_190 : i32 to vector<16xi32>
          %shift_right_arithmetic3A_192 = arith.shrsi %get3A_189, %shift_right_arithmetic3A_191 : vector<16xi32>
          %and3A_193 = arith.constant 127 : i32
          %and3A_194 = vector.broadcast %and3A_193 : i32 to vector<16xi32>
          %and3A_195 = arith.andi %get3A_189, %and3A_194 : vector<16xi32>
          tpu.vector_store_idx %arg13[%shift_right_arithmetic3A_192, %and3A_195], %broadcast_in_dim3A_64 {add = true} : memref<80x128xf32, #tpu.memory_space<vmem>>[vector<16xi32>, vector<16xi32>], vector<16xf32>,
          %get3A_196 = arith.index_cast %mul3A_123 : i32 to index
          %get3A_197 = arith.constant 64 : index
          %get3A_198 = tpu.vector_load %arg10[%get3A_196, %get3A_197] {strides = array<i32>} : memref<25x80xi32, #tpu.memory_space<vmem>>, vector<16xi32>,
          %shift_right_arithmetic3A_199 = arith.constant 7 : i32
          %shift_right_arithmetic3A_200 = vector.broadcast %shift_right_arithmetic3A_199 : i32 to vector<16xi32>
          %shift_right_arithmetic3A_201 = arith.shrsi %get3A_198, %shift_right_arithmetic3A_200 : vector<16xi32>
          %and3A_202 = arith.constant 127 : i32
          %and3A_203 = vector.broadcast %and3A_202 : i32 to vector<16xi32>
          %and3A_204 = arith.andi %get3A_198, %and3A_203 : vector<16xi32>
          tpu.vector_store_idx %arg13[%shift_right_arithmetic3A_201, %and3A_204], %broadcast_in_dim3A_64 {add = true} : memref<80x128xf32, #tpu.memory_space<vmem>>[vector<16xi32>, vector<16xi32>], vector<16xf32>,
        } else {
        }
        %dma_wait3A_143 = arith.constant 0 : i32
        %dma_wait3A_144 = tpu.memref_slice %arg9[%add3A_125, %dma_wait3A_143] : memref<25x80xi32, #tpu.memory_space<vmem>> -> memref<1x80xi32, #tpu.memory_space<vmem>>
        %dma_wait3A_145 = tpu.memref_squeeze %dma_wait3A_144 : memref<1x80xi32, #tpu.memory_space<vmem>> -> memref<80xi32, #tpu.memory_space<vmem>>
        %dma_wait3A_146 = arith.constant 0 : i32
        %dma_wait3A_147 = arith.constant 0 : i32
        %dma_wait3A_148 = tpu.memref_slice %arg2[%dma_wait3A_146, %dma_wait3A_147] : memref<20000x128xf32, #tpu.memory_space<hbm>> -> memref<20000x128xf32, #tpu.memory_space<hbm>>
        tpu.wait_indirect_dma semaphore(%arg17 : memref<!tpu.dma_semaphore, #tpu.memory_space<semaphore_mem>>) src(%dma_wait3A_148 : memref<20000x128xf32, #tpu.memory_space<hbm>>) dst(%arg12 : memref<80x128xf32, #tpu.memory_space<vmem>>)
        %add3A_149 = arith.constant 2 : i32
        %add3A_150 = arith.addi %mul3A_123, %add3A_149 : i32
        %dma_start3A_151 = arith.constant 0 : i32
        %dma_start3A_152 = tpu.memref_slice %arg9[%add3A_150, %dma_start3A_151] : memref<25x80xi32, #tpu.memory_space<vmem>> -> memref<1x80xi32, #tpu.memory_space<vmem>>
        %dma_start3A_153 = tpu.memref_squeeze %dma_start3A_152 : memref<1x80xi32, #tpu.memory_space<vmem>> -> memref<80xi32, #tpu.memory_space<vmem>>
        %dma_start3A_154 = arith.constant 0 : i32
        %dma_start3A_155 = arith.constant 0 : i32
        %dma_start3A_156 = tpu.memref_slice %arg2[%dma_start3A_154, %dma_start3A_155] : memref<20000x128xf32, #tpu.memory_space<hbm>> -> memref<20000x128xf32, #tpu.memory_space<hbm>>
        tpu.enqueue_indirect_dma source(%dma_start3A_156 : memref<20000x128xf32, #tpu.memory_space<hbm>>) target(%arg11 : memref<80x128xf32, #tpu.memory_space<vmem>>) offsets(%dma_start3A_153 : memref<80xi32, #tpu.memory_space<vmem>>) semaphore(%arg16 : memref<!tpu.dma_semaphore, #tpu.memory_space<semaphore_mem>>)
        "tpu.region"() ({
          %run_scoped3A_162 = tpu.sem_alloc : memref<!tpu.dma_semaphore, #tpu.memory_space<semaphore_mem>>
          %dma_start3A_163 = arith.constant 0 : i32
          %dma_start3A_164 = tpu.memref_slice %arg10[%add3A_125, %dma_start3A_163] : memref<25x80xi32, #tpu.memory_space<vmem>> -> memref<1x80xi32, #tpu.memory_space<vmem>>
          %dma_start3A_165 = tpu.memref_squeeze %dma_start3A_164 : memref<1x80xi32, #tpu.memory_space<vmem>> -> memref<80xi32, #tpu.memory_space<vmem>>
          %dma_start3A_166 = arith.constant 0 : i32
          %dma_start3A_167 = arith.constant 0 : i32
          %dma_start3A_168 = tpu.memref_slice %arg14[%dma_start3A_166, %dma_start3A_167] : memref<10240x128xf32, #tpu.memory_space<vmem_shared>> -> memref<10240x128xf32, #tpu.memory_space<vmem_shared>>
          tpu.enqueue_indirect_dma source(%arg12 : memref<80x128xf32, #tpu.memory_space<vmem>>) target(%dma_start3A_168 : memref<10240x128xf32, #tpu.memory_space<vmem_shared>>) offsets(%dma_start3A_165 : memref<80xi32, #tpu.memory_space<vmem>>) semaphore(%run_scoped3A_162 : memref<!tpu.dma_semaphore, #tpu.memory_space<semaphore_mem>>) {add = true}
          %dma_wait3A_169 = arith.constant 0 : i32
          %dma_wait3A_170 = tpu.memref_slice %arg10[%add3A_125, %dma_wait3A_169] : memref<25x80xi32, #tpu.memory_space<vmem>> -> memref<1x80xi32, #tpu.memory_space<vmem>>
          %dma_wait3A_171 = tpu.memref_squeeze %dma_wait3A_170 : memref<1x80xi32, #tpu.memory_space<vmem>> -> memref<80xi32, #tpu.memory_space<vmem>>
          %dma_wait3A_172 = arith.constant 0 : i32
          %dma_wait3A_173 = arith.constant 0 : i32
          %dma_wait3A_174 = tpu.memref_slice %arg14[%dma_wait3A_172, %dma_wait3A_173] : memref<10240x128xf32, #tpu.memory_space<vmem_shared>> -> memref<10240x128xf32, #tpu.memory_space<vmem_shared>>
          tpu.wait_indirect_dma semaphore(%run_scoped3A_162 : memref<!tpu.dma_semaphore, #tpu.memory_space<semaphore_mem>>) src(%arg12 : memref<80x128xf32, #tpu.memory_space<vmem>>) dst(%dma_wait3A_174 : memref<10240x128xf32, #tpu.memory_space<vmem_shared>>)
          tpu.yield
        }) : () -> ()
        %eq3A_157 = arith.constant 0 : i32
        %eq3A_158 = arith.cmpi eq, %arg0, %eq3A_157 : i32
        %convert_element_type3A_159 = arith.extui %eq3A_158 : i1 to i32
        %cond3A_160 = arith.constant 0 : i32
        %cond3A_161 = arith.cmpi ne, %convert_element_type3A_159, %cond3A_160 : i32
        scf.if %cond3A_161 {
          %get3A = arith.index_cast %add3A_125 : i32 to index
          %get3A_162 = arith.constant 0 : index
          %get3A_163 = tpu.vector_load %arg10[%get3A, %get3A_162] {strides = array<i32>} : memref<25x80xi32, #tpu.memory_space<vmem>>, vector<16xi32>,
          %shift_right_arithmetic3A = arith.constant 7 : i32
          %shift_right_arithmetic3A_164 = vector.broadcast %shift_right_arithmetic3A : i32 to vector<16xi32>
          %shift_right_arithmetic3A_165 = arith.shrsi %get3A_163, %shift_right_arithmetic3A_164 : vector<16xi32>
          %and3A_166 = arith.constant 127 : i32
          %and3A_167 = vector.broadcast %and3A_166 : i32 to vector<16xi32>
          %and3A_168 = arith.andi %get3A_163, %and3A_167 : vector<16xi32>
          tpu.vector_store_idx %arg13[%shift_right_arithmetic3A_165, %and3A_168], %broadcast_in_dim3A_64 {add = true} : memref<80x128xf32, #tpu.memory_space<vmem>>[vector<16xi32>, vector<16xi32>], vector<16xf32>,
          %get3A_169 = arith.index_cast %add3A_125 : i32 to index
          %get3A_170 = arith.constant 16 : index
          %get3A_171 = tpu.vector_load %arg10[%get3A_169, %get3A_170] {strides = array<i32>} : memref<25x80xi32, #tpu.memory_space<vmem>>, vector<16xi32>,
          %shift_right_arithmetic3A_172 = arith.constant 7 : i32
          %shift_right_arithmetic3A_173 = vector.broadcast %shift_right_arithmetic3A_172 : i32 to vector<16xi32>
          %shift_right_arithmetic3A_174 = arith.shrsi %get3A_171, %shift_right_arithmetic3A_173 : vector<16xi32>
          %and3A_175 = arith.constant 127 : i32
          %and3A_176 = vector.broadcast %and3A_175 : i32 to vector<16xi32>
          %and3A_177 = arith.andi %get3A_171, %and3A_176 : vector<16xi32>
          tpu.vector_store_idx %arg13[%shift_right_arithmetic3A_174, %and3A_177], %broadcast_in_dim3A_64 {add = true} : memref<80x128xf32, #tpu.memory_space<vmem>>[vector<16xi32>, vector<16xi32>], vector<16xf32>,
          %get3A_178 = arith.index_cast %add3A_125 : i32 to index
          %get3A_179 = arith.constant 32 : index
          %get3A_180 = tpu.vector_load %arg10[%get3A_178, %get3A_179] {strides = array<i32>} : memref<25x80xi32, #tpu.memory_space<vmem>>, vector<16xi32>,
          %shift_right_arithmetic3A_181 = arith.constant 7 : i32
          %shift_right_arithmetic3A_182 = vector.broadcast %shift_right_arithmetic3A_181 : i32 to vector<16xi32>
          %shift_right_arithmetic3A_183 = arith.shrsi %get3A_180, %shift_right_arithmetic3A_182 : vector<16xi32>
          %and3A_184 = arith.constant 127 : i32
          %and3A_185 = vector.broadcast %and3A_184 : i32 to vector<16xi32>
          %and3A_186 = arith.andi %get3A_180, %and3A_185 : vector<16xi32>
          tpu.vector_store_idx %arg13[%shift_right_arithmetic3A_183, %and3A_186], %broadcast_in_dim3A_64 {add = true} : memref<80x128xf32, #tpu.memory_space<vmem>>[vector<16xi32>, vector<16xi32>], vector<16xf32>,
          %get3A_187 = arith.index_cast %add3A_125 : i32 to index
          %get3A_188 = arith.constant 48 : index
          %get3A_189 = tpu.vector_load %arg10[%get3A_187, %get3A_188] {strides = array<i32>} : memref<25x80xi32, #tpu.memory_space<vmem>>, vector<16xi32>,
          %shift_right_arithmetic3A_190 = arith.constant 7 : i32
          %shift_right_arithmetic3A_191 = vector.broadcast %shift_right_arithmetic3A_190 : i32 to vector<16xi32>
          %shift_right_arithmetic3A_192 = arith.shrsi %get3A_189, %shift_right_arithmetic3A_191 : vector<16xi32>
          %and3A_193 = arith.constant 127 : i32
          %and3A_194 = vector.broadcast %and3A_193 : i32 to vector<16xi32>
          %and3A_195 = arith.andi %get3A_189, %and3A_194 : vector<16xi32>
          tpu.vector_store_idx %arg13[%shift_right_arithmetic3A_192, %and3A_195], %broadcast_in_dim3A_64 {add = true} : memref<80x128xf32, #tpu.memory_space<vmem>>[vector<16xi32>, vector<16xi32>], vector<16xf32>,
          %get3A_196 = arith.index_cast %add3A_125 : i32 to index
          %get3A_197 = arith.constant 64 : index
          %get3A_198 = tpu.vector_load %arg10[%get3A_196, %get3A_197] {strides = array<i32>} : memref<25x80xi32, #tpu.memory_space<vmem>>, vector<16xi32>,
          %shift_right_arithmetic3A_199 = arith.constant 7 : i32
          %shift_right_arithmetic3A_200 = vector.broadcast %shift_right_arithmetic3A_199 : i32 to vector<16xi32>
          %shift_right_arithmetic3A_201 = arith.shrsi %get3A_198, %shift_right_arithmetic3A_200 : vector<16xi32>
          %and3A_202 = arith.constant 127 : i32
          %and3A_203 = vector.broadcast %and3A_202 : i32 to vector<16xi32>
          %and3A_204 = arith.andi %get3A_198, %and3A_203 : vector<16xi32>
          tpu.vector_store_idx %arg13[%shift_right_arithmetic3A_201, %and3A_204], %broadcast_in_dim3A_64 {add = true} : memref<80x128xf32, #tpu.memory_space<vmem>>[vector<16xi32>, vector<16xi32>], vector<16xf32>,
        } else {
        }
      }
      %scan3A_109 = arith.constant 12 : i32
      %dma_wait3A = arith.constant 24 : i32
      %dma_wait3A_110 = arith.constant 0 : i32
      %dma_wait3A_111 = tpu.memref_slice %arg9[%dma_wait3A, %dma_wait3A_110] : memref<25x80xi32, #tpu.memory_space<vmem>> -> memref<1x80xi32, #tpu.memory_space<vmem>>
      %dma_wait3A_112 = tpu.memref_squeeze %dma_wait3A_111 : memref<1x80xi32, #tpu.memory_space<vmem>> -> memref<80xi32, #tpu.memory_space<vmem>>
      %dma_wait3A_113 = arith.constant 0 : i32
      %dma_wait3A_114 = arith.constant 0 : i32
      %dma_wait3A_115 = tpu.memref_slice %arg2[%dma_wait3A_113, %dma_wait3A_114] : memref<20000x128xf32, #tpu.memory_space<hbm>> -> memref<20000x128xf32, #tpu.memory_space<hbm>>
      tpu.wait_indirect_dma semaphore(%arg16 : memref<!tpu.dma_semaphore, #tpu.memory_space<semaphore_mem>>) src(%dma_wait3A_115 : memref<20000x128xf32, #tpu.memory_space<hbm>>) dst(%arg11 : memref<80x128xf32, #tpu.memory_space<vmem>>)
      %run_scoped3A = arith.constant 24 : i32
      "tpu.region"() ({
        %run_scoped3A_121 = tpu.sem_alloc : memref<!tpu.dma_semaphore, #tpu.memory_space<semaphore_mem>>
        %dma_start3A_122 = arith.constant 0 : i32
        %dma_start3A_123 = tpu.memref_slice %arg10[%run_scoped3A, %dma_start3A_122] : memref<25x80xi32, #tpu.memory_space<vmem>> -> memref<1x80xi32, #tpu.memory_space<vmem>>
        %dma_start3A_124 = tpu.memref_squeeze %dma_start3A_123 : memref<1x80xi32, #tpu.memory_space<vmem>> -> memref<80xi32, #tpu.memory_space<vmem>>
        %dma_start3A_125 = arith.constant 0 : i32
        %dma_start3A_126 = arith.constant 0 : i32
        %dma_start3A_127 = tpu.memref_slice %arg14[%dma_start3A_125, %dma_start3A_126] : memref<10240x128xf32, #tpu.memory_space<vmem_shared>> -> memref<10240x128xf32, #tpu.memory_space<vmem_shared>>
        tpu.enqueue_indirect_dma source(%arg11 : memref<80x128xf32, #tpu.memory_space<vmem>>) target(%dma_start3A_127 : memref<10240x128xf32, #tpu.memory_space<vmem_shared>>) offsets(%dma_start3A_124 : memref<80xi32, #tpu.memory_space<vmem>>) semaphore(%run_scoped3A_121 : memref<!tpu.dma_semaphore, #tpu.memory_space<semaphore_mem>>) {add = true}
        %dma_wait3A_128 = arith.constant 0 : i32
        %dma_wait3A_129 = tpu.memref_slice %arg10[%run_scoped3A, %dma_wait3A_128] : memref<25x80xi32, #tpu.memory_space<vmem>> -> memref<1x80xi32, #tpu.memory_space<vmem>>
        %dma_wait3A_130 = tpu.memref_squeeze %dma_wait3A_129 : memref<1x80xi32, #tpu.memory_space<vmem>> -> memref<80xi32, #tpu.memory_space<vmem>>
        %dma_wait3A_131 = arith.constant 0 : i32
        %dma_wait3A_132 = arith.constant 0 : i32
        %dma_wait3A_133 = tpu.memref_slice %arg14[%dma_wait3A_131, %dma_wait3A_132] : memref<10240x128xf32, #tpu.memory_space<vmem_shared>> -> memref<10240x128xf32, #tpu.memory_space<vmem_shared>>
        tpu.wait_indirect_dma semaphore(%run_scoped3A_121 : memref<!tpu.dma_semaphore, #tpu.memory_space<semaphore_mem>>) src(%arg11 : memref<80x128xf32, #tpu.memory_space<vmem>>) dst(%dma_wait3A_133 : memref<10240x128xf32, #tpu.memory_space<vmem_shared>>)
        tpu.yield
      }) : () -> ()
      %eq3A_116 = arith.constant 0 : i32
      %eq3A_117 = arith.cmpi eq, %arg0, %eq3A_116 : i32
      %convert_element_type3A_118 = arith.extui %eq3A_117 : i1 to i32
      %cond3A_119 = arith.constant 0 : i32
      %cond3A_120 = arith.cmpi ne, %convert_element_type3A_118, %cond3A_119 : i32
      scf.if %cond3A_120 {
        %get3A = arith.constant 24 : i32
        %get3A_121 = arith.index_cast %get3A : i32 to index
        %get3A_122 = arith.constant 0 : index
        %get3A_123 = tpu.vector_load %arg10[%get3A_121, %get3A_122] {strides = array<i32>} : memref<25x80xi32, #tpu.memory_space<vmem>>, vector<16xi32>,
        %shift_right_arithmetic3A = arith.constant 7 : i32
        %shift_right_arithmetic3A_124 = vector.broadcast %shift_right_arithmetic3A : i32 to vector<16xi32>
        %shift_right_arithmetic3A_125 = arith.shrsi %get3A_123, %shift_right_arithmetic3A_124 : vector<16xi32>
        %and3A_126 = arith.constant 127 : i32
        %and3A_127 = vector.broadcast %and3A_126 : i32 to vector<16xi32>
        %and3A_128 = arith.andi %get3A_123, %and3A_127 : vector<16xi32>
        tpu.vector_store_idx %arg13[%shift_right_arithmetic3A_125, %and3A_128], %broadcast_in_dim3A_64 {add = true} : memref<80x128xf32, #tpu.memory_space<vmem>>[vector<16xi32>, vector<16xi32>], vector<16xf32>,
        %get3A_129 = arith.constant 24 : i32
        %get3A_130 = arith.index_cast %get3A_129 : i32 to index
        %get3A_131 = arith.constant 16 : index
        %get3A_132 = tpu.vector_load %arg10[%get3A_130, %get3A_131] {strides = array<i32>} : memref<25x80xi32, #tpu.memory_space<vmem>>, vector<16xi32>,
        %shift_right_arithmetic3A_133 = arith.constant 7 : i32
        %shift_right_arithmetic3A_134 = vector.broadcast %shift_right_arithmetic3A_133 : i32 to vector<16xi32>
        %shift_right_arithmetic3A_135 = arith.shrsi %get3A_132, %shift_right_arithmetic3A_134 : vector<16xi32>
        %and3A_136 = arith.constant 127 : i32
        %and3A_137 = vector.broadcast %and3A_136 : i32 to vector<16xi32>
        %and3A_138 = arith.andi %get3A_132, %and3A_137 : vector<16xi32>
        tpu.vector_store_idx %arg13[%shift_right_arithmetic3A_135, %and3A_138], %broadcast_in_dim3A_64 {add = true} : memref<80x128xf32, #tpu.memory_space<vmem>>[vector<16xi32>, vector<16xi32>], vector<16xf32>,
        %get3A_139 = arith.constant 24 : i32
        %get3A_140 = arith.index_cast %get3A_139 : i32 to index
        %get3A_141 = arith.constant 32 : index
        %get3A_142 = tpu.vector_load %arg10[%get3A_140, %get3A_141] {strides = array<i32>} : memref<25x80xi32, #tpu.memory_space<vmem>>, vector<16xi32>,
        %shift_right_arithmetic3A_143 = arith.constant 7 : i32
        %shift_right_arithmetic3A_144 = vector.broadcast %shift_right_arithmetic3A_143 : i32 to vector<16xi32>
        %shift_right_arithmetic3A_145 = arith.shrsi %get3A_142, %shift_right_arithmetic3A_144 : vector<16xi32>
        %and3A_146 = arith.constant 127 : i32
        %and3A_147 = vector.broadcast %and3A_146 : i32 to vector<16xi32>
        %and3A_148 = arith.andi %get3A_142, %and3A_147 : vector<16xi32>
        tpu.vector_store_idx %arg13[%shift_right_arithmetic3A_145, %and3A_148], %broadcast_in_dim3A_64 {add = true} : memref<80x128xf32, #tpu.memory_space<vmem>>[vector<16xi32>, vector<16xi32>], vector<16xf32>,
        %get3A_149 = arith.constant 24 : i32
        %get3A_150 = arith.index_cast %get3A_149 : i32 to index
        %get3A_151 = arith.constant 48 : index
        %get3A_152 = tpu.vector_load %arg10[%get3A_150, %get3A_151] {strides = array<i32>} : memref<25x80xi32, #tpu.memory_space<vmem>>, vector<16xi32>,
        %shift_right_arithmetic3A_153 = arith.constant 7 : i32
        %shift_right_arithmetic3A_154 = vector.broadcast %shift_right_arithmetic3A_153 : i32 to vector<16xi32>
        %shift_right_arithmetic3A_155 = arith.shrsi %get3A_152, %shift_right_arithmetic3A_154 : vector<16xi32>
        %and3A_156 = arith.constant 127 : i32
        %and3A_157 = vector.broadcast %and3A_156 : i32 to vector<16xi32>
        %and3A_158 = arith.andi %get3A_152, %and3A_157 : vector<16xi32>
        tpu.vector_store_idx %arg13[%shift_right_arithmetic3A_155, %and3A_158], %broadcast_in_dim3A_64 {add = true} : memref<80x128xf32, #tpu.memory_space<vmem>>[vector<16xi32>, vector<16xi32>], vector<16xf32>,
        %get3A_159 = arith.constant 24 : i32
        %get3A_160 = arith.index_cast %get3A_159 : i32 to index
        %get3A_161 = arith.constant 64 : index
        %get3A_162 = tpu.vector_load %arg10[%get3A_160, %get3A_161] {strides = array<i32>} : memref<25x80xi32, #tpu.memory_space<vmem>>, vector<16xi32>,
        %shift_right_arithmetic3A_163 = arith.constant 7 : i32
        %shift_right_arithmetic3A_164 = vector.broadcast %shift_right_arithmetic3A_163 : i32 to vector<16xi32>
        %shift_right_arithmetic3A_165 = arith.shrsi %get3A_162, %shift_right_arithmetic3A_164 : vector<16xi32>
        %and3A_166 = arith.constant 127 : i32
        %and3A_167 = vector.broadcast %and3A_166 : i32 to vector<16xi32>
        %and3A_168 = arith.andi %get3A_162, %and3A_167 : vector<16xi32>
        tpu.vector_store_idx %arg13[%shift_right_arithmetic3A_165, %and3A_168], %broadcast_in_dim3A_64 {add = true} : memref<80x128xf32, #tpu.memory_space<vmem>>[vector<16xi32>, vector<16xi32>], vector<16xf32>,
      } else {
      }
    }
    %scan3A_69 = arith.constant 5 : i32
    %eq3A = arith.constant 0 : i32
    %eq3A_70 = arith.cmpi eq, %arg0, %eq3A : i32
    %convert_element_type3A = arith.extui %eq3A_70 : i1 to i32
    %cond3A = arith.constant 0 : i32
    %cond3A_71 = arith.cmpi ne, %convert_element_type3A, %cond3A : i32
    scf.if %cond3A_71 {
      %add3A_87 = arith.constant 0 : i32
      %add3A_88 = vector.broadcast %add3A_87 : i32 to vector<16xi32>
      %add3A_89 = arith.addi %iota3A, %add3A_88 : vector<16xi32>
      "tpu.region"() ({
        %run_scoped3A = tpu.sem_alloc : memref<!tpu.dma_semaphore, #tpu.memory_space<semaphore_mem>>
        %dma_start3A = arith.constant 0 : i32
        %dma_start3A_102 = arith.constant 0 : i32
        %dma_start3A_103 = tpu.memref_slice %arg13[%dma_start3A, %dma_start3A_102] : memref<80x128xf32, #tpu.memory_space<vmem>> -> memref<16x128xf32, #tpu.memory_space<vmem>>
        %dma_start3A_104 = arith.constant 0 : i32
        %dma_start3A_105 = arith.constant 0 : i32
        %dma_start3A_106 = tpu.memref_slice %arg15[%dma_start3A_104, %dma_start3A_105] : memref<80x128xf32, #tpu.memory_space<vmem_shared>> -> memref<80x128xf32, #tpu.memory_space<vmem_shared>>
        tpu.enqueue_indirect_dma source(%dma_start3A_103 : memref<16x128xf32, #tpu.memory_space<vmem>>) target(%dma_start3A_106 : memref<80x128xf32, #tpu.memory_space<vmem_shared>>) offsets(%add3A_89 : vector<16xi32>) semaphore(%run_scoped3A : memref<!tpu.dma_semaphore, #tpu.memory_space<semaphore_mem>>) {add = true}
        %dma_wait3A = arith.constant 0 : i32
        %dma_wait3A_107 = arith.constant 0 : i32
        %dma_wait3A_108 = tpu.memref_slice %arg13[%dma_wait3A, %dma_wait3A_107] : memref<80x128xf32, #tpu.memory_space<vmem>> -> memref<16x128xf32, #tpu.memory_space<vmem>>
        %dma_wait3A_109 = arith.constant 0 : i32
        %dma_wait3A_110 = arith.constant 0 : i32
        %dma_wait3A_111 = tpu.memref_slice %arg15[%dma_wait3A_109, %dma_wait3A_110] : memref<80x128xf32, #tpu.memory_space<vmem_shared>> -> memref<80x128xf32, #tpu.memory_space<vmem_shared>>
        tpu.wait_indirect_dma semaphore(%run_scoped3A : memref<!tpu.dma_semaphore, #tpu.memory_space<semaphore_mem>>) src(%dma_wait3A_108 : memref<16x128xf32, #tpu.memory_space<vmem>>) dst(%dma_wait3A_111 : memref<80x128xf32, #tpu.memory_space<vmem_shared>>)
        tpu.yield
      }) : () -> ()
      %add3A_90 = arith.constant 16 : i32
      %add3A_91 = vector.broadcast %add3A_90 : i32 to vector<16xi32>
      %add3A_92 = arith.addi %iota3A, %add3A_91 : vector<16xi32>
      "tpu.region"() ({
        %run_scoped3A = tpu.sem_alloc : memref<!tpu.dma_semaphore, #tpu.memory_space<semaphore_mem>>
        %dma_start3A = arith.constant 16 : i32
        %dma_start3A_102 = arith.constant 0 : i32
        %dma_start3A_103 = tpu.memref_slice %arg13[%dma_start3A, %dma_start3A_102] : memref<80x128xf32, #tpu.memory_space<vmem>> -> memref<16x128xf32, #tpu.memory_space<vmem>>
        %dma_start3A_104 = arith.constant 0 : i32
        %dma_start3A_105 = arith.constant 0 : i32
        %dma_start3A_106 = tpu.memref_slice %arg15[%dma_start3A_104, %dma_start3A_105] : memref<80x128xf32, #tpu.memory_space<vmem_shared>> -> memref<80x128xf32, #tpu.memory_space<vmem_shared>>
        tpu.enqueue_indirect_dma source(%dma_start3A_103 : memref<16x128xf32, #tpu.memory_space<vmem>>) target(%dma_start3A_106 : memref<80x128xf32, #tpu.memory_space<vmem_shared>>) offsets(%add3A_92 : vector<16xi32>) semaphore(%run_scoped3A : memref<!tpu.dma_semaphore, #tpu.memory_space<semaphore_mem>>) {add = true}
        %dma_wait3A = arith.constant 16 : i32
        %dma_wait3A_107 = arith.constant 0 : i32
        %dma_wait3A_108 = tpu.memref_slice %arg13[%dma_wait3A, %dma_wait3A_107] : memref<80x128xf32, #tpu.memory_space<vmem>> -> memref<16x128xf32, #tpu.memory_space<vmem>>
        %dma_wait3A_109 = arith.constant 0 : i32
        %dma_wait3A_110 = arith.constant 0 : i32
        %dma_wait3A_111 = tpu.memref_slice %arg15[%dma_wait3A_109, %dma_wait3A_110] : memref<80x128xf32, #tpu.memory_space<vmem_shared>> -> memref<80x128xf32, #tpu.memory_space<vmem_shared>>
        tpu.wait_indirect_dma semaphore(%run_scoped3A : memref<!tpu.dma_semaphore, #tpu.memory_space<semaphore_mem>>) src(%dma_wait3A_108 : memref<16x128xf32, #tpu.memory_space<vmem>>) dst(%dma_wait3A_111 : memref<80x128xf32, #tpu.memory_space<vmem_shared>>)
        tpu.yield
      }) : () -> ()
      %add3A_93 = arith.constant 32 : i32
      %add3A_94 = vector.broadcast %add3A_93 : i32 to vector<16xi32>
      %add3A_95 = arith.addi %iota3A, %add3A_94 : vector<16xi32>
      "tpu.region"() ({
        %run_scoped3A = tpu.sem_alloc : memref<!tpu.dma_semaphore, #tpu.memory_space<semaphore_mem>>
        %dma_start3A = arith.constant 32 : i32
        %dma_start3A_102 = arith.constant 0 : i32
        %dma_start3A_103 = tpu.memref_slice %arg13[%dma_start3A, %dma_start3A_102] : memref<80x128xf32, #tpu.memory_space<vmem>> -> memref<16x128xf32, #tpu.memory_space<vmem>>
        %dma_start3A_104 = arith.constant 0 : i32
        %dma_start3A_105 = arith.constant 0 : i32
        %dma_start3A_106 = tpu.memref_slice %arg15[%dma_start3A_104, %dma_start3A_105] : memref<80x128xf32, #tpu.memory_space<vmem_shared>> -> memref<80x128xf32, #tpu.memory_space<vmem_shared>>
        tpu.enqueue_indirect_dma source(%dma_start3A_103 : memref<16x128xf32, #tpu.memory_space<vmem>>) target(%dma_start3A_106 : memref<80x128xf32, #tpu.memory_space<vmem_shared>>) offsets(%add3A_95 : vector<16xi32>) semaphore(%run_scoped3A : memref<!tpu.dma_semaphore, #tpu.memory_space<semaphore_mem>>) {add = true}
        %dma_wait3A = arith.constant 32 : i32
        %dma_wait3A_107 = arith.constant 0 : i32
        %dma_wait3A_108 = tpu.memref_slice %arg13[%dma_wait3A, %dma_wait3A_107] : memref<80x128xf32, #tpu.memory_space<vmem>> -> memref<16x128xf32, #tpu.memory_space<vmem>>
        %dma_wait3A_109 = arith.constant 0 : i32
        %dma_wait3A_110 = arith.constant 0 : i32
        %dma_wait3A_111 = tpu.memref_slice %arg15[%dma_wait3A_109, %dma_wait3A_110] : memref<80x128xf32, #tpu.memory_space<vmem_shared>> -> memref<80x128xf32, #tpu.memory_space<vmem_shared>>
        tpu.wait_indirect_dma semaphore(%run_scoped3A : memref<!tpu.dma_semaphore, #tpu.memory_space<semaphore_mem>>) src(%dma_wait3A_108 : memref<16x128xf32, #tpu.memory_space<vmem>>) dst(%dma_wait3A_111 : memref<80x128xf32, #tpu.memory_space<vmem_shared>>)
        tpu.yield
      }) : () -> ()
      %add3A_96 = arith.constant 48 : i32
      %add3A_97 = vector.broadcast %add3A_96 : i32 to vector<16xi32>
      %add3A_98 = arith.addi %iota3A, %add3A_97 : vector<16xi32>
      "tpu.region"() ({
        %run_scoped3A = tpu.sem_alloc : memref<!tpu.dma_semaphore, #tpu.memory_space<semaphore_mem>>
        %dma_start3A = arith.constant 48 : i32
        %dma_start3A_102 = arith.constant 0 : i32
        %dma_start3A_103 = tpu.memref_slice %arg13[%dma_start3A, %dma_start3A_102] : memref<80x128xf32, #tpu.memory_space<vmem>> -> memref<16x128xf32, #tpu.memory_space<vmem>>
        %dma_start3A_104 = arith.constant 0 : i32
        %dma_start3A_105 = arith.constant 0 : i32
        %dma_start3A_106 = tpu.memref_slice %arg15[%dma_start3A_104, %dma_start3A_105] : memref<80x128xf32, #tpu.memory_space<vmem_shared>> -> memref<80x128xf32, #tpu.memory_space<vmem_shared>>
        tpu.enqueue_indirect_dma source(%dma_start3A_103 : memref<16x128xf32, #tpu.memory_space<vmem>>) target(%dma_start3A_106 : memref<80x128xf32, #tpu.memory_space<vmem_shared>>) offsets(%add3A_98 : vector<16xi32>) semaphore(%run_scoped3A : memref<!tpu.dma_semaphore, #tpu.memory_space<semaphore_mem>>) {add = true}
        %dma_wait3A = arith.constant 48 : i32
        %dma_wait3A_107 = arith.constant 0 : i32
        %dma_wait3A_108 = tpu.memref_slice %arg13[%dma_wait3A, %dma_wait3A_107] : memref<80x128xf32, #tpu.memory_space<vmem>> -> memref<16x128xf32, #tpu.memory_space<vmem>>
        %dma_wait3A_109 = arith.constant 0 : i32
        %dma_wait3A_110 = arith.constant 0 : i32
        %dma_wait3A_111 = tpu.memref_slice %arg15[%dma_wait3A_109, %dma_wait3A_110] : memref<80x128xf32, #tpu.memory_space<vmem_shared>> -> memref<80x128xf32, #tpu.memory_space<vmem_shared>>
        tpu.wait_indirect_dma semaphore(%run_scoped3A : memref<!tpu.dma_semaphore, #tpu.memory_space<semaphore_mem>>) src(%dma_wait3A_108 : memref<16x128xf32, #tpu.memory_space<vmem>>) dst(%dma_wait3A_111 : memref<80x128xf32, #tpu.memory_space<vmem_shared>>)
        tpu.yield
      }) : () -> ()
      %add3A_99 = arith.constant 64 : i32
      %add3A_100 = vector.broadcast %add3A_99 : i32 to vector<16xi32>
      %add3A_101 = arith.addi %iota3A, %add3A_100 : vector<16xi32>
      "tpu.region"() ({
        %run_scoped3A = tpu.sem_alloc : memref<!tpu.dma_semaphore, #tpu.memory_space<semaphore_mem>>
        %dma_start3A = arith.constant 64 : i32
        %dma_start3A_102 = arith.constant 0 : i32
        %dma_start3A_103 = tpu.memref_slice %arg13[%dma_start3A, %dma_start3A_102] : memref<80x128xf32, #tpu.memory_space<vmem>> -> memref<16x128xf32, #tpu.memory_space<vmem>>
        %dma_start3A_104 = arith.constant 0 : i32
        %dma_start3A_105 = arith.constant 0 : i32
        %dma_start3A_106 = tpu.memref_slice %arg15[%dma_start3A_104, %dma_start3A_105] : memref<80x128xf32, #tpu.memory_space<vmem_shared>> -> memref<80x128xf32, #tpu.memory_space<vmem_shared>>
        tpu.enqueue_indirect_dma source(%dma_start3A_103 : memref<16x128xf32, #tpu.memory_space<vmem>>) target(%dma_start3A_106 : memref<80x128xf32, #tpu.memory_space<vmem_shared>>) offsets(%add3A_101 : vector<16xi32>) semaphore(%run_scoped3A : memref<!tpu.dma_semaphore, #tpu.memory_space<semaphore_mem>>) {add = true}
        %dma_wait3A = arith.constant 64 : i32
        %dma_wait3A_107 = arith.constant 0 : i32
        %dma_wait3A_108 = tpu.memref_slice %arg13[%dma_wait3A, %dma_wait3A_107] : memref<80x128xf32, #tpu.memory_space<vmem>> -> memref<16x128xf32, #tpu.memory_space<vmem>>
        %dma_wait3A_109 = arith.constant 0 : i32
        %dma_wait3A_110 = arith.constant 0 : i32
        %dma_wait3A_111 = tpu.memref_slice %arg15[%dma_wait3A_109, %dma_wait3A_110] : memref<80x128xf32, #tpu.memory_space<vmem_shared>> -> memref<80x128xf32, #tpu.memory_space<vmem_shared>>
        tpu.wait_indirect_dma semaphore(%run_scoped3A : memref<!tpu.dma_semaphore, #tpu.memory_space<semaphore_mem>>) src(%dma_wait3A_108 : memref<16x128xf32, #tpu.memory_space<vmem>>) dst(%dma_wait3A_111 : memref<80x128xf32, #tpu.memory_space<vmem_shared>>)
        tpu.yield
      }) : () -> ()
    } else {
    }
    %barrier3A_72 = arith.constant 0 : index
    tpu.barrier barrier_id(%barrier3A_72)
    %mul3A_73 = arith.constant 640 : i32
    %mul3A_74 = arith.muli %arg1, %mul3A_73 : i32
    %mul3A_75 = arith.constant 10240 : i32
    %mul3A_76 = arith.muli %arg0, %mul3A_75 : i32
    %mul3A_77 = arith.constant 640 : i32
    %mul3A_78 = arith.muli %arg1, %mul3A_77 : i32
    %add3A_79 = arith.addi %mul3A_76, %mul3A_78 : i32
    "tpu.region"() ({
      %run_scoped3A = tpu.sem_alloc : memref<!tpu.dma_semaphore, #tpu.memory_space<semaphore_mem>>
      %dma_start3A = arith.constant 0 : i32
      %dma_start3A_87 = tpu.memref_slice %arg7[%add3A_79, %dma_start3A] : memref<20480x128xf32, #tpu.memory_space<hbm>> -> memref<640x128xf32, #tpu.memory_space<hbm>>
      %dma_start3A_88 = arith.constant 0 : i32
      %dma_start3A_89 = tpu.memref_slice %arg14[%mul3A_74, %dma_start3A_88] : memref<10240x128xf32, #tpu.memory_space<vmem_shared>> -> memref<640x128xf32, #tpu.memory_space<vmem_shared>>
      tpu.enqueue_dma source(%dma_start3A_89 : memref<640x128xf32, #tpu.memory_space<vmem_shared>>) target(%dma_start3A_87 : memref<640x128xf32, #tpu.memory_space<hbm>>) target_semaphore(%run_scoped3A : memref<!tpu.dma_semaphore, #tpu.memory_space<semaphore_mem>>)
      %dma_wait3A = arith.constant 0 : i32
      %dma_wait3A_90 = tpu.memref_slice %arg7[%add3A_79, %dma_wait3A] : memref<20480x128xf32, #tpu.memory_space<hbm>> -> memref<640x128xf32, #tpu.memory_space<hbm>>
      %dma_wait3A_91 = arith.constant 0 : i32
      %dma_wait3A_92 = tpu.memref_slice %arg14[%mul3A_74, %dma_wait3A_91] : memref<10240x128xf32, #tpu.memory_space<vmem_shared>> -> memref<640x128xf32, #tpu.memory_space<vmem_shared>>
      tpu.wait_dma2 semaphore(%run_scoped3A : memref<!tpu.dma_semaphore, #tpu.memory_space<semaphore_mem>>) src(%dma_wait3A_92 : memref<640x128xf32, #tpu.memory_space<vmem_shared>>) dst(%dma_wait3A_90 : memref<640x128xf32, #tpu.memory_space<hbm>>)
      tpu.yield
    }) : () -> ()
    %eq3A_80 = arith.constant 0 : i32
    %eq3A_81 = arith.cmpi eq, %arg0, %eq3A_80 : i32
    %eq3A_82 = arith.constant 0 : i32
    %eq3A_83 = arith.cmpi eq, %arg1, %eq3A_82 : i32
    %and3A = arith.andi %eq3A_81, %eq3A_83 : i1
    %convert_element_type3A_84 = arith.extui %and3A : i1 to i32
    %cond3A_85 = arith.constant 0 : i32
    %cond3A_86 = arith.cmpi ne, %convert_element_type3A_84, %cond3A_85 : i32
    scf.if %cond3A_86 {
      "tpu.region"() ({
        %run_scoped3A = tpu.sem_alloc : memref<!tpu.dma_semaphore, #tpu.memory_space<semaphore_mem>>
        tpu.enqueue_dma source(%arg15 : memref<80x128xf32, #tpu.memory_space<vmem_shared>>) target(%arg8 : memref<80x128xf32, #tpu.memory_space<hbm>>) target_semaphore(%run_scoped3A : memref<!tpu.dma_semaphore, #tpu.memory_space<semaphore_mem>>)
        tpu.wait_dma2 semaphore(%run_scoped3A : memref<!tpu.dma_semaphore, #tpu.memory_space<semaphore_mem>>) src(%arg15 : memref<80x128xf32, #tpu.memory_space<vmem_shared>>) dst(%arg8 : memref<80x128xf32, #tpu.memory_space<hbm>>)
        tpu.yield
      }) : () -> ()
    } else {
    }
    return
  }
}

module attributes {stable_mosaic.version = 14 : i64} {
  func.func @_tc_body(%arg0: i32, %arg1: memref<2048x256xf32, #tpu.memory_space<vmem>>, %arg2: memref<2048x128xf32, #tpu.memory_space<vmem>>, %arg3: memref<2048x128xf32, #tpu.memory_space<vmem>>, %arg4: memref<16x128xf32, #tpu.memory_space<vmem>>, %arg5: memref<256x256xf32, #tpu.memory_space<vmem>>, %arg6: memref<256x128xf32, #tpu.memory_space<vmem>>, %arg7: memref<256x128xf32, #tpu.memory_space<vmem>>, %arg8: memref<1x256xf32, #tpu.memory_space<vmem>>, %arg9: memref<2048x256xf32, #tpu.memory_space<vmem>>) attributes {dimension_semantics = [#tpu.dimension_semantics<arbitrary>], iteration_bounds = array<i64: 5>, scalar_prefetch = 0 : i64, scratch_operands = 0 : i64, tpu.core_type = #tpu.core_type<tc>, window_params = [{transform_indices = @transform_0, window_bounds = array<i64: 2048, 256>}, {transform_indices = @transform_1, window_bounds = array<i64: 2048, 128>}, {transform_indices = @transform_2, window_bounds = array<i64: 2048, 128>}, {transform_indices = @transform_3, window_bounds = array<i64: 16, 128>}, {pipeline_mode = #tpu.pipeline_mode<synchronous>, transform_indices = @transform_4, window_bounds = array<i64: 256, 256>}, {transform_indices = @transform_5, window_bounds = array<i64: 256, 128>}, {transform_indices = @transform_6, window_bounds = array<i64: 256, 128>}, {pipeline_mode = #tpu.pipeline_mode<synchronous>, transform_indices = @transform_7, window_bounds = array<i64: 1, 256>}, {transform_indices = @transform_8, window_bounds = array<i64: 2048, 256>}]} {
    %get3A = arith.constant 0 : index
    %get3A_0 = arith.constant 0 : index
    %get3A_1 = vector.load %arg4[%get3A, %get3A_0] : memref<16x128xf32, #tpu.memory_space<vmem>>, vector<16x128xf32>
    %slice3A = vector.extract_strided_slice %get3A_1 {offsets = [0, 0], sizes = [1, 128], strides = [1, 1]} : vector<16x128xf32> to vector<1x128xf32>
    %transpose3A = tpu.transpose %slice3A, [1, 0] : vector<1x128xf32> -> vector<128x1xf32>
    %slice3A_2 = vector.extract_strided_slice %get3A_1 {offsets = [1, 0], sizes = [1, 128], strides = [1, 1]} : vector<16x128xf32> to vector<1x128xf32>
    %transpose3A_3 = tpu.transpose %slice3A_2, [1, 0] : vector<1x128xf32> -> vector<128x1xf32>
    %slice3A_4 = vector.extract_strided_slice %get3A_1 {offsets = [2, 0], sizes = [1, 128], strides = [1, 1]} : vector<16x128xf32> to vector<1x128xf32>
    %transpose3A_5 = tpu.transpose %slice3A_4, [1, 0] : vector<1x128xf32> -> vector<128x1xf32>
    %slice3A_6 = vector.extract_strided_slice %get3A_1 {offsets = [3, 0], sizes = [1, 128], strides = [1, 1]} : vector<16x128xf32> to vector<1x128xf32>
    %transpose3A_7 = tpu.transpose %slice3A_6, [1, 0] : vector<1x128xf32> -> vector<128x1xf32>
    %slice3A_8 = vector.extract_strided_slice %get3A_1 {offsets = [4, 0], sizes = [1, 128], strides = [1, 1]} : vector<16x128xf32> to vector<1x128xf32>
    %transpose3A_9 = tpu.transpose %slice3A_8, [1, 0] : vector<1x128xf32> -> vector<128x1xf32>
    %slice3A_10 = vector.extract_strided_slice %get3A_1 {offsets = [5, 0], sizes = [1, 128], strides = [1, 1]} : vector<16x128xf32> to vector<1x128xf32>
    %transpose3A_11 = tpu.transpose %slice3A_10, [1, 0] : vector<1x128xf32> -> vector<128x1xf32>
    %slice3A_12 = vector.extract_strided_slice %get3A_1 {offsets = [6, 0], sizes = [1, 128], strides = [1, 1]} : vector<16x128xf32> to vector<1x128xf32>
    %transpose3A_13 = tpu.transpose %slice3A_12, [1, 0] : vector<1x128xf32> -> vector<128x1xf32>
    %slice3A_14 = vector.extract_strided_slice %get3A_1 {offsets = [7, 0], sizes = [1, 128], strides = [1, 1]} : vector<16x128xf32> to vector<1x128xf32>
    %transpose3A_15 = tpu.transpose %slice3A_14, [1, 0] : vector<1x128xf32> -> vector<128x1xf32>
    %slice3A_16 = vector.extract_strided_slice %get3A_1 {offsets = [8, 0], sizes = [1, 128], strides = [1, 1]} : vector<16x128xf32> to vector<1x128xf32>
    %transpose3A_17 = tpu.transpose %slice3A_16, [1, 0] : vector<1x128xf32> -> vector<128x1xf32>
    %slice3A_18 = vector.extract_strided_slice %get3A_1 {offsets = [9, 0], sizes = [1, 128], strides = [1, 1]} : vector<16x128xf32> to vector<1x128xf32>
    %transpose3A_19 = tpu.transpose %slice3A_18, [1, 0] : vector<1x128xf32> -> vector<128x1xf32>
    %slice3A_20 = vector.extract_strided_slice %get3A_1 {offsets = [10, 0], sizes = [1, 128], strides = [1, 1]} : vector<16x128xf32> to vector<1x128xf32>
    %transpose3A_21 = tpu.transpose %slice3A_20, [1, 0] : vector<1x128xf32> -> vector<128x1xf32>
    %slice3A_22 = vector.extract_strided_slice %get3A_1 {offsets = [11, 0], sizes = [1, 128], strides = [1, 1]} : vector<16x128xf32> to vector<1x128xf32>
    %transpose3A_23 = tpu.transpose %slice3A_22, [1, 0] : vector<1x128xf32> -> vector<128x1xf32>
    %slice3A_24 = vector.extract_strided_slice %get3A_1 {offsets = [12, 0], sizes = [1, 128], strides = [1, 1]} : vector<16x128xf32> to vector<1x128xf32>
    %transpose3A_25 = tpu.transpose %slice3A_24, [1, 0] : vector<1x128xf32> -> vector<128x1xf32>
    %slice3A_26 = vector.extract_strided_slice %get3A_1 {offsets = [13, 0], sizes = [1, 128], strides = [1, 1]} : vector<16x128xf32> to vector<1x128xf32>
    %transpose3A_27 = tpu.transpose %slice3A_26, [1, 0] : vector<1x128xf32> -> vector<128x1xf32>
    %slice3A_28 = vector.extract_strided_slice %get3A_1 {offsets = [14, 0], sizes = [1, 128], strides = [1, 1]} : vector<16x128xf32> to vector<1x128xf32>
    %transpose3A_29 = tpu.transpose %slice3A_28, [1, 0] : vector<1x128xf32> -> vector<128x1xf32>
    %slice3A_30 = vector.extract_strided_slice %get3A_1 {offsets = [15, 0], sizes = [1, 128], strides = [1, 1]} : vector<16x128xf32> to vector<1x128xf32>
    %transpose3A_31 = tpu.transpose %slice3A_30, [1, 0] : vector<1x128xf32> -> vector<128x1xf32>
    %concatenate3A = tpu.concatenate %transpose3A, %transpose3A_3, %transpose3A_5, %transpose3A_7, %transpose3A_9, %transpose3A_11, %transpose3A_13, %transpose3A_15, %transpose3A_17, %transpose3A_19, %transpose3A_21, %transpose3A_23, %transpose3A_25, %transpose3A_27, %transpose3A_29, %transpose3A_31 in 0 : vector<128x1xf32>, vector<128x1xf32>, vector<128x1xf32>, vector<128x1xf32>, vector<128x1xf32>, vector<128x1xf32>, vector<128x1xf32>, vector<128x1xf32>, vector<128x1xf32>, vector<128x1xf32>, vector<128x1xf32>, vector<128x1xf32>, vector<128x1xf32>, vector<128x1xf32>, vector<128x1xf32>, vector<128x1xf32> -> vector<2048x1xf32>
    %gt3A = arith.constant 0.000000e+00 : f32
    %gt3A_32 = vector.broadcast %gt3A : f32 to vector<2048x1xf32>
    %gt3A_33 = arith.cmpf ogt, %concatenate3A, %gt3A_32 : vector<2048x1xf32>
    %max3A = arith.constant 1.000000e+00 : f32
    %max3A_34 = vector.broadcast %max3A : f32 to vector<2048x1xf32>
    %max3A_35 = arith.maximumf %concatenate3A, %max3A_34 : vector<2048x1xf32>
    %div3A = arith.constant 1.000000e+00 : f32
    %div3A_36 = vector.broadcast %div3A : f32 to vector<2048x1xf32>
    %div3A_37 = arith.divf %div3A_36, %max3A_35 : vector<2048x1xf32>
    %jit3A = arith.constant 0.000000e+00 : f32
    %broadcast_in_dim3A = vector.broadcast %jit3A : f32 to vector<2048x1xf32>
    %select_n3A = arith.select %gt3A_33, %div3A_37, %broadcast_in_dim3A : vector<2048x1xi1>, vector<2048x1xf32>
    %get3A_38 = arith.constant 0 : index
    %get3A_39 = arith.constant 0 : index
    %get3A_40 = vector.load %arg1[%get3A_38, %get3A_39] : memref<2048x256xf32, #tpu.memory_space<vmem>>, vector<2048x256xf32>
    %get3A_41 = arith.constant 0 : index
    %get3A_42 = arith.constant 0 : index
    %get3A_43 = vector.load %arg5[%get3A_41, %get3A_42] : memref<256x256xf32, #tpu.memory_space<vmem>>, vector<256x256xf32>
    %dot_general3A = arith.constant dense<0.000000e+00> : vector<2048x256xf32>
    %dot_general3A_44 = tpu.matmul %get3A_40, %get3A_43, %dot_general3A {dimension_numbers = #tpu.dot_dimension_numbers<[1], [1], [0], [0], [0, 0, 1, 0], [], []>, transpose_lhs_hint = false} : vector<2048x256xf32>, vector<256x256xf32>, vector<2048x256xf32> -> vector<2048x256xf32>
    %get3A_45 = arith.constant 0 : index
    %get3A_46 = arith.constant 0 : index
    %get3A_47 = vector.load %arg2[%get3A_45, %get3A_46] : memref<2048x128xf32, #tpu.memory_space<vmem>>, vector<2048x128xf32>
    %mul3A = vector.broadcast %select_n3A : vector<2048x1xf32> to vector<2048x128xf32>
    %mul3A_48 = arith.mulf %get3A_47, %mul3A : vector<2048x128xf32>
    %get3A_49 = arith.constant 0 : index
    %get3A_50 = arith.constant 0 : index
    %get3A_51 = vector.load %arg6[%get3A_49, %get3A_50] : memref<256x128xf32, #tpu.memory_space<vmem>>, vector<256x128xf32>
    %dot_general3A_52 = arith.constant dense<0.000000e+00> : vector<2048x256xf32>
    %dot_general3A_53 = tpu.matmul %mul3A_48, %get3A_51, %dot_general3A_52 {dimension_numbers = #tpu.dot_dimension_numbers<[1], [1], [0], [0], [0, 0, 1, 0], [], []>, transpose_lhs_hint = false} : vector<2048x128xf32>, vector<256x128xf32>, vector<2048x256xf32> -> vector<2048x256xf32>
    %add3A = arith.addf %dot_general3A_44, %dot_general3A_53 : vector<2048x256xf32>
    %get3A_54 = arith.constant 0 : index
    %get3A_55 = arith.constant 0 : index
    %get3A_56 = vector.load %arg3[%get3A_54, %get3A_55] : memref<2048x128xf32, #tpu.memory_space<vmem>>, vector<2048x128xf32>
    %mul3A_57 = vector.broadcast %select_n3A : vector<2048x1xf32> to vector<2048x128xf32>
    %mul3A_58 = arith.mulf %get3A_56, %mul3A_57 : vector<2048x128xf32>
    %get3A_59 = arith.constant 0 : index
    %get3A_60 = arith.constant 0 : index
    %get3A_61 = vector.load %arg7[%get3A_59, %get3A_60] : memref<256x128xf32, #tpu.memory_space<vmem>>, vector<256x128xf32>
    %dot_general3A_62 = arith.constant dense<0.000000e+00> : vector<2048x256xf32>
    %dot_general3A_63 = tpu.matmul %mul3A_58, %get3A_61, %dot_general3A_62 {dimension_numbers = #tpu.dot_dimension_numbers<[1], [1], [0], [0], [0, 0, 1, 0], [], []>, transpose_lhs_hint = false} : vector<2048x128xf32>, vector<256x128xf32>, vector<2048x256xf32> -> vector<2048x256xf32>
    %add3A_64 = arith.addf %add3A, %dot_general3A_63 : vector<2048x256xf32>
    %get3A_65 = arith.constant 0 : index
    %get3A_66 = arith.constant 0 : index
    %get3A_67 = vector.load %arg8[%get3A_65, %get3A_66] : memref<1x256xf32, #tpu.memory_space<vmem>>, vector<1x256xf32>
    %add3A_68 = vector.broadcast %get3A_67 : vector<1x256xf32> to vector<2048x256xf32>
    %add3A_69 = arith.addf %add3A_64, %add3A_68 : vector<2048x256xf32>
    %swap3A = arith.constant 0 : index
    %swap3A_70 = arith.constant 0 : index
    %swap3A_71 = vector.load %arg9[%swap3A, %swap3A_70] : memref<2048x256xf32, #tpu.memory_space<vmem>>, vector<2048x256xf32>
    tpu.vector_store %arg9[%swap3A, %swap3A_70], %add3A_69 {strides = array<i32>} : memref<2048x256xf32, #tpu.memory_space<vmem>>, vector<2048x256xf32>,
    return
  }
  func.func @transform_0(%arg0: i32) -> (i32, i32) {
    %c0_i32 = arith.constant 0 : i32
    %c0_i32_0 = arith.constant 0 : i32
    return %arg0, %c0_i32 : i32, i32
  }
  func.func @transform_1(%arg0: i32) -> (i32, i32) {
    %c0_i32 = arith.constant 0 : i32
    %c0_i32_0 = arith.constant 0 : i32
    return %arg0, %c0_i32 : i32, i32
  }
  func.func @transform_2(%arg0: i32) -> (i32, i32) {
    %add3A = arith.constant 5 : i32
    %add3A_0 = arith.addi %arg0, %add3A : i32
    %c0_i32 = arith.constant 0 : i32
    %c0_i32_1 = arith.constant 0 : i32
    return %add3A_0, %c0_i32 : i32, i32
  }
  func.func @transform_3(%arg0: i32) -> (i32, i32) {
    %c0_i32 = arith.constant 0 : i32
    %c0_i32_0 = arith.constant 0 : i32
    return %arg0, %c0_i32 : i32, i32
  }
  func.func @transform_4(%arg0: i32) -> (i32, i32) {
    %c0_i32 = arith.constant 0 : i32
    %c0_i32_0 = arith.constant 0 : i32
    %c0_i32_1 = arith.constant 0 : i32
    return %c0_i32, %c0_i32_0 : i32, i32
  }
  func.func @transform_5(%arg0: i32) -> (i32, i32) {
    %c0_i32 = arith.constant 0 : i32
    %c0_i32_0 = arith.constant 0 : i32
    %c0_i32_1 = arith.constant 0 : i32
    return %c0_i32, %c0_i32_0 : i32, i32
  }
  func.func @transform_6(%arg0: i32) -> (i32, i32) {
    %c0_i32 = arith.constant 0 : i32
    %c1_i32 = arith.constant 1 : i32
    %c0_i32_0 = arith.constant 0 : i32
    return %c0_i32, %c1_i32 : i32, i32
  }
  func.func @transform_7(%arg0: i32) -> (i32, i32) {
    %c0_i32 = arith.constant 0 : i32
    %c0_i32_0 = arith.constant 0 : i32
    %c0_i32_1 = arith.constant 0 : i32
    return %c0_i32, %c0_i32_0 : i32, i32
  }
  func.func @transform_8(%arg0: i32) -> (i32, i32) {
    %c0_i32 = arith.constant 0 : i32
    %c0_i32_0 = arith.constant 0 : i32
    return %arg0, %c0_i32 : i32, i32
  }
}

</mosaic_0001>

<sc_bundles>
// kernel: kernel.4.cloned.1.call-start
scs
__scs_entry_jumppad:
0x0: {  	(pc) =	sbr.rel $0x88, $3  }
0x1: {  	(tag) =	ssettag $0x0;
	lr =	simm.s32 $0x1  }
0x2: {  	[smem:$0x3F9B] =	sst lr;
	_ =	strace $0xD0000000  }
0x3: {  	_ = 	snop  }
0x4: {  	_ = 	snop  }
0x5: {  	_ = 	snop  }
0x6: {  	_ = 	snop  }
0x7: {  	_ = 	snop  }
__scs_overlays_trampoline_lowered:
0x8: {  	[smem:$0x3FAA] =	sst s0  }
0x9: {  	[smem:$0x3FAB] =	sst s1  }
0xa: {  	[smem:$0x3FAC] =	sst s2  }
0xb: {  	[smem:$0x3FAD] =	sst s3  }
0xc: {  	[smem:$0x3FAE] =	sst s4  }
0xd: {  	[smem:$0x3FAF] =	sst s5  }
0xe: {  	[smem:$0x3FB0] =	sst s6  }
0xf: {  	[smem:$0x3FB1] =	sst s7  }
0x10: {  	[smem:$0x3FB2] =	sst s8  }
0x11: {  	[smem:$0x3FB3] =	sst s9;
	s0 =	simm.s32 @!p0 $0x0  }
0x12: {  	s1 =	sld [smem:$0x3F99];
	s0 =	simm.s32 @p0 $0x1  }
0x13: {  	[smem:$0x3FB4] =	sst s0;
	s0 =	simm.s32 @!p1 $0x0  }
0x14: {  	s2 =	sld [smem:$0x3F98];
	s0 =	simm.s32 @p1 $0x1  }
0x15: {  	[smem:$0x3FB5] =	sst s0;
	s0 =	simm.s32 @!p2 $0x0  }
0x16: {  	s3 =	sld [smem:$0x3FDB];
	s0 =	simm.s32 @p2 $0x1  }
0x17: {  	s4 =	simm.s32 $0x1BF5;
	[smem:$0x3FB7] =	sst s0  }
0x18: {  	s0 =	sld [smem:$0x3F9A];
	_ =	swait.ge [sflag:s4], $0x0  }
0x19: {  	s7 =	sld [smem:$0x3F9B]  }
0x1a: {  	s8 =	sadd.s32 $0xFFFFE003, lr  }
0x1b: {  	s9 =	sadd.s32 $0xFFFFFEF7, lr;
	s5 =	simm.s32 $0xFFFFFFFF;
	p2 =	slt.u32 s8, $0xFFFFF086  }
0x1c: {  	p1 =	slt.u32 s9, $0xF7A;
	s5 =	simm.s32 @!p2 $0x0  }
0x1d: {  	s5 =	simm.s32 @p1 $0x1;
	p0 =	seq.s32 s7, s2  }
0x1e: {  	s7 =	smul.u32 @!p0 $0xF7A, s2;
	p2 =	seq.s32 @!p0 s5, $0x0  }
0x1f: {  	s9 =	smul.u32 $0xF7A, s1;
	s8 =	simm.s32 @!p0 $0x1BF5;
	p2 =	por !p2, p0  }
0x20: {  	[sflag:s8] =	ssyncset.s32 @!p0 $0xFFFFF086;
	s6 =	sadd.s32 @!p0 s3, s7;
	s7 =	simm.s32 @!p0 $0x108  }
0x21: {  	s3 =	sadd.s32 s3, s9;
	s6 =	sadd.s32 @!p0 $0x88, s6;
	s7 =	simm.s32 @p2 $0x1082  }
0x22: {  	[simem:s7], [sflag:s8] =	dma.local @!p0 [hbm:s6], $0xF7A  }
0x23: {  	s9 =	sor.u32 $0xD0000000, s2;
	s6 =	simm.s32 $0x108;
	_ =	swait.ge @!p0 [sflag:s8], $0x0  }
0x24: {  	s3 =	sadd.s32 $0x88, s3;
	s6 =	simm.s32 @!p1 $0x1082;
	[sflag:s4] =	ssyncset.s32 $0xFFFFF086  }
0x25: {  	[simem:s6], [sflag:s4] =	dma.local [hbm:s3], $0xF7A  }
0x26: {  	[smem:$0x3F9B] =	sst s1;
	(tag) =	ssettag s2;
	_ =	strace s9  }
0x27: {  	s1 =	sld [smem:$0x3FAB]  }
0x28: {  	s2 =	sld [smem:$0x3FAC]  }
0x29: {  	s4 =	sld [smem:$0x3FAE]  }
0x2a: {  	p0 =	seq.s32 s5, $0x0;
	s5 =	sld [smem:$0x3FAF]  }
0x2b: {  	s6 =	sld [smem:$0x3FB0]  }
0x2c: {  	s7 =	sld [smem:$0x3FB1]  }
0x2d: {  	s3 =	simm.s32 $0x108;
	s8 =	sld [smem:$0x3FB2]  }
0x2e: {  	s3 =	simm.s32 @!p0 $0x1082;
	s9 =	sld [smem:$0x3FB3]  }
0x2f: {  	lr =	sadd.s32 s0, s3;
	s0 =	sld [smem:$0x3FAA]  }
0x30: {  	s3 =	sld [smem:$0x3FAD]  }
0x31: {  	[smem:$0x3FB6] =	sst s10  }
0x32: {  	s10 =	sld [smem:$0x3FB4];
	_ =	sdelay $0x3  }
0x33: {  	p0 =	seq.s32 s10, $0x1;
	s10 =	sld [smem:$0x3FB6];
	_ =	sdelay $0x3  }
0x34: {  	[smem:$0x3FB6] =	sst s10  }
0x35: {  	s10 =	sld [smem:$0x3FB5];
	_ =	sdelay $0x3  }
0x36: {  	p1 =	seq.s32 s10, $0x1;
	s10 =	sld [smem:$0x3FB6];
	_ =	sdelay $0x3  }
0x37: {  	[smem:$0x3FB6] =	sst s10  }
0x38: {  	s10 =	sld [smem:$0x3FB7]  }
0x39: {  	_ = 	snop;
	(pc) =	sbr.ind lr, $3  }
0x3a: {  	_ = 	snop  }
0x3b: {  	_ = 	snop  }
0x3c: {  	p2 =	seq.s32 s10, $0x1;
	s10 =	sld [smem:$0x3FB6]  }
0x3d: {  	_ =	shalt  }
0x3e: {  	_ =	shalt  }
0x3f: {  	_ =	shalt  }
0x40: {  	_ =	shalt  }
0x41: {  	_ =	shalt  }
0x42: {  	_ =	shalt  }
0x43: {  	_ =	shalt  }
0x44: {  	_ =	shalt  }
0x45: {  	_ =	shalt  }
0x46: {  	_ =	shalt  }
0x47: {  	_ =	shalt  }
0x48: {  	_ =	shalt  }
0x49: {  	_ =	shalt  }
0x4a: {  	_ =	shalt  }
0x4b: {  	_ =	shalt  }
0x4c: {  	_ =	shalt  }
0x4d: {  	_ =	shalt  }
0x4e: {  	_ =	shalt  }
0x4f: {  	_ =	shalt  }
0x50: {  	_ =	shalt  }
0x51: {  	_ =	shalt  }
0x52: {  	_ =	shalt  }
0x53: {  	_ =	shalt  }
0x54: {  	_ =	shalt  }
0x55: {  	_ =	shalt  }
0x56: {  	_ =	shalt  }
0x57: {  	_ =	shalt  }
0x58: {  	_ =	shalt  }
0x59: {  	_ =	shalt  }
0x5a: {  	_ =	shalt  }
0x5b: {  	_ =	shalt  }
0x5c: {  	_ =	shalt  }
0x5d: {  	_ =	shalt  }
0x5e: {  	_ =	shalt  }
0x5f: {  	_ =	shalt  }
0x60: {  	_ =	shalt  }
0x61: {  	_ =	shalt  }
0x62: {  	_ =	shalt  }
0x63: {  	_ =	shalt  }
0x64: {  	_ =	shalt  }
0x65: {  	_ =	shalt  }
0x66: {  	_ =	shalt  }
0x67: {  	_ =	shalt  }
0x68: {  	_ =	shalt  }
0x69: {  	_ =	shalt  }
0x6a: {  	_ =	shalt  }
0x6b: {  	_ =	shalt  }
0x6c: {  	_ =	shalt  }
0x6d: {  	_ =	shalt  }
0x6e: {  	_ =	shalt  }
0x6f: {  	_ =	shalt  }
0x70: {  	_ =	shalt  }
0x71: {  	_ =	shalt  }
0x72: {  	_ =	shalt  }
0x73: {  	_ =	shalt  }
0x74: {  	_ =	shalt  }
0x75: {  	_ =	shalt  }
0x76: {  	_ =	shalt  }
0x77: {  	_ =	shalt  }
0x78: {  	_ =	shalt  }
0x79: {  	_ =	shalt  }
0x7a: {  	_ =	shalt  }
0x7b: {  	_ =	shalt  }
0x7c: {  	_ =	shalt  }
0x7d: {  	_ =	shalt  }
0x7e: {  	_ =	shalt  }
0x7f: {  	_ =	shalt  }
0x80: {  	_ =	shalt  }
0x81: {  	_ =	shalt  }
0x82: {  	_ =	shalt  }
0x83: {  	_ =	shalt  }
0x84: {  	_ =	shalt  }
0x85: {  	_ =	shalt  }
0x86: {  	_ =	shalt  }
0x87: {  	_ =	shalt  }
.Lfunc_end0:
.L_simem_size_0:
called_computation_lowered:
.L_overlay_start_0:
0x88: {  	s2 =	sld [smem:$0x3FD9]  }
0x89: {  	s3 =	sld [smem:$0x3FFE];
	_ =	sdelay $0x1  }
0x8a: {  	s1 =	srdreg.scid  }
0x8b: {  	s0 =	sand.u32 $0x1, s1  }
0x8c: {  	s17 =	sshll.u32 s0, $0xA;
	s2 =	sadd.s32 s3, s2  }
0x8d: {  	s2 =	sadd.s32 s2, s17  }
0x8e: {  	[smem:$0x3FC2] =	sst s2  }
0x8f: {  	_ = 	snop  }
0x90: {  	s2 =	sld [smem:$0x3FD0];
	(tm) =	ssettm $0x1  }
0x91: {  	s18 =	sld [smem:$0x3FFB];
	_ =	sdelay $0x3  }
0x92: {  	_ =	strace s18  }
0x93: {  	s3 =	sld [smem:$0x3FFC];
	_ =	sdelay $0x3  }
0x94: {  	_ =	strace s3  }
0x95: {  	s3 =	sld [smem:$0x3FFD];
	_ =	sdelay $0x3  }
0x96: {  	_ =	strace s3  }
0x97: {  	_ =	strace $0x8FFFFFFF  }
0x98: {  	s19 =	sld [smem:$0x3FDB];
	_ =	sdelay $0x1  }
0x99: {  	s4 =	simm.s32 $_scs_section_size  }
0x9a: {  	s5 =	simm.s32 $_size__tile_overlayer_lowered;
	s6 =	simm.s32 $_tile_overlayer_lowered  }
0x9b: {  	s22 =	simm.s32 $0x1BFF;
	s21 =	sshll.u32 s6, $0x1;
	s3 =	sadd.s32 s4, s19  }
0x9c: {  	s7 =	simm.s32 $0x0;
	s20 =	sshll.u32 s5, $0x1;
	s5 =	sadd.s32 s21, s3  }
0x9d: {  	[timem:s7], [sflag:s22] =	dma.local [hbm:s5], s20  }
0x9e: {  	_ =	swait.ge [sflag:s22], s20  }
0x9f: {  	s4 =	ssub.s32 $0x0, s20;
	[sflag:s22] =	ssyncset.done $0x0  }
0xa0: {  	[sflag:s22] =	ssyncadd.s32 s4;
	_ =	sdelay $0x1  }
0xa1: {  	s23 =	simm.s32 $0x1B8B  }
0xa2: {  	_ =	swait.ge [sflag:s23], $0x1  }
0xa3: {  	[sflag:s23] =	ssyncset.done $0x0  }
0xa4: {  	s25 =	simm.s32 $0x1B8E;
	s24 =	sld [smem:$0x3FFE];
	[sflag:s23] =	ssyncadd.s32 $0xFFFFFFFF  }
0xa5: {  	s26 =	simm.s32 $execute0_lowered;
	[smem:$0x3FD2] =	sst s25  }
0xa6: {  	s5 =	sshll.u32 s26, $0x1;
	_ =	strace $0x80000046;
	[dreg:$0x1] =	wrdreg $0xFFFFFFFF  }
0xa7: {  	s28 =	simm.s32 $_size_execute0_lowered;
	s3 =	sadd.s32 s3, s5;
	[dreg:$0x0] =	wrdreg $0x0  }
0xa8: {  	s5 =	sshll.u32 s28, $0x1;
	[dreg:$0x2] =	wrdreg s3  }
0xa9: {  	[dreg:$0x3] =	wrdreg s5  }
0xaa: {  	[dreg:$0x4] =	wrdreg $0xC0  }
0xab: {  	_ =	task [dreg:s7], $0x5FFFF  }
0xac: {  	[dreg:$0x1] =	wrdreg $0xFFFFFFFF  }
0xad: {  	[dreg:$0x0] =	wrdreg $0x60  }
0xae: {  	[dreg:$0x2] =	wrdreg s2  }
0xaf: {  	[dreg:$0x3] =	wrdreg s24  }
0xb0: {  	[dreg:$0x4] =	wrdreg $0x98000  }
0xb1: {  	[dreg:$0x5] =	wrdreg $0x1D8000  }
0xb2: {  	[dreg:$0x6] =	wrdreg $0x9  }
0xb3: {  	_ =	task.clear_ibuf [dreg:s7], $0x7FFFF;
	_ =	strace $0x90000046  }
0xb4: {  	s29 =	simm.s32 $0x9;
	_ =	strace $0x80000048  }
0xb5: {  	_ =	swait.ge [sflag:s29], $0x1  }
0xb6: {  	[sflag:s29] =	ssyncadd.s32 $0xFFFFFFFF  }
0xb7: {  	_ =	strace $0x90000048  }
0xb8: {  	_ =	sfence  }
0xb9: {  	s30 =	sld [smem:$0x0];
	_ =	sdelay $0x2  }
0xba: {  	s31 =	sshll.u32 s1, $0xD;
	s1 =	sshrl.u32 s1, $0x2  }
0xbb: {  	s3 =	sand.u32 $0x4000, s31;
	s1 =	sadd.s32 s1, s30  }
0xbc: {  	s0 =	sor.u32 s3, s0;
	s1 =	sshll.u32 s1, $0x11  }
0xbd: {  	s0 =	sor.u32 s1, s0  }
0xbe: {  	s0 =	sadd.s32 $0x8F2B, s0  }
0xbf: {  	[sflag:s0] =	ssyncadd.remote.s32 $0x1  }
0xc0: {  	_ =	sfence.sel $0xFFFF  }
0xc1: {  	[dreg:$0x0] =	wrdreg $0xFFFFFFFF;
	(pc) =	sbr.abs _section_cstart, $3  }
0xc2: {  	[dreg:$0x1] =	wrdreg $0xFFFFFFFF  }
0xc3: {  	_ =	task.clear_ibuf [dreg:s7], $0x2FFFF;
	_ =	strace $0x9FFFFFFF  }
0xc4: {  	(tm) =	ssettm $0x7FFFFFFF  }
0xc5: {  	_ =	shalt  }
tec
execute0_lowered:
.L_overlay_start_1:
0x0: {  	(tag) =	ssettag $0x1  }
0x1: {  	s1 =	rddreg [dreg:$0x0]  }
0x2: {  	s0 =	rddreg [dreg:$0x1]  }
0x3: {  	s3 =	rddreg [dreg:$0x2]  }
0x4: {  	s4 =	rddreg [dreg:$0x3];
	s22 =	stileid.u32  }
0x5: {  	s2 =	srdreg.scid;
	s5 =	smul.u32 $0x2800, s22  }
0x6: {  	s6 =	simm.s32 $0x0;
	s11 =	simm.s32 $0x1A00;
	s8 =	smul.u32 $0x50000, s22  }
0x7: {  	s2 =	sand.u32 $0x1, s2;
	[smem:$0x7FF] =	sst s6;
	s21 =	smul.u32 $0xA00, s22  }
0x8: {  	s6 =	sadd.s32 $0x15A00, s0;
	s10 =	sadd.s32 $0x6FE00, s0;
	s31 =	smul.u32 $0x5000, s22  }
0x9: {  	s25 =	sshll.u32 s22, $0x6;
	s7 =	smul.u32 $0x28000, s2;
	_ =	strace $0x80000047  }
0xa: {  	s9 =	ssub.s32 $0x2, s2;
	[dreg:$0x5] =	wrdreg s10;
	s10 =	sor.u32 $0x1C03, s25  }
0xb: {  	p0 =	seq.s32 s2, $0x0;
	s24 =	sshrl.u32 s9, $0x1;
	s8 =	sshrl.u32 s8, $0x2  }
0xc: {  	s11 =	simm.s32 @!p0 $0xBA00;
	p0 =	sne.s32 s2, $0x0;
	s2 =	sor.u32 s22, s2  }
0xd: {  	s21 =	sshrl.u32 s21, $0x2;
	s5 =	sadd.s32 s5, s7;
	s7 =	sadd.s32 $0x1FA00, s0  }
0xe: {  	s12 =	ssub.s32 s9, s24;
	s9 =	sadd.s32 s8, s3;
	s11 =	sadd.s32 s11, s0  }
0xf: {  	p1 =	sne.s32 s2, $0x0;
	s30 =	sadd.s32 s21, s4;
	s2 =	simm.s32 $0x7000  }
0x10: {  	s5 =	sadd.s32 s5, s0;
	s26 =	sadd.s32 $0x1400, s9;
	s13 =	sadd.s32 $0x2800, s9  }
0x11: {  	s14 =	sadd.s32 $0x3C00, s9;
	s15 =	sadd.s32 $0x5000, s9;
	s25 =	smax.u32 s12, $0x1  }
0x12: {  	s16 =	sadd.s32 $0x6400, s9;
	s5 =	sadd.s32 $0x1FE00, s5;
	[dreg:$0x7] =	wrdreg s25  }
0x13: {  	s17 =	sadd.s32 $0x7800, s9;
	s26 =	sshrl.u32 s26, $0x3;
	[dreg:$0x6] =	wrdreg s5  }
0x14: {  	s18 =	sadd.s32 $0x8C00, s9;
	s8 =	sshrl.u32 s13, $0x3;
	[dreg:$0x8] =	wrdreg s26  }
0x15: {  	s19 =	sadd.s32 $0xA000, s9;
	s12 =	sshrl.u32 s14, $0x3;
	[dreg:$0x9] =	wrdreg s8  }
0x16: {  	s20 =	sadd.s32 $0xB400, s9;
	s13 =	sshrl.u32 s15, $0x3;
	[dreg:$0xa] =	wrdreg s12  }
0x17: {  	s23 =	sadd.s32 $0xC800, s9;
	s14 =	sshrl.u32 s16, $0x3;
	[dreg:$0xb] =	wrdreg s13  }
0x18: {  	s24 =	sadd.s32 $0xDC00, s9;
	s15 =	sshrl.u32 s17, $0x3;
	[dreg:$0xc] =	wrdreg s14  }
0x19: {  	s21 =	sadd.s32 $0x10400, s9;
	s16 =	sshrl.u32 s18, $0x3;
	[dreg:$0xd] =	wrdreg s15  }
0x1a: {  	s30 =	sshrl.u32 s30, $0x3;
	s17 =	sshrl.u32 s19, $0x3;
	[dreg:$0xe] =	wrdreg s16  }
0x1b: {  	s18 =	sshrl.u32 s20, $0x3;
	s0 =	sshrl.u32 s23, $0x3;
	[dreg:$0xf] =	wrdreg s17  }
0x1c: {  	s19 =	sshrl.u32 s24, $0x3;
	s20 =	sadd.s32 $0xF000, s9;
	[dreg:$0x10] =	wrdreg s18  }
0x1d: {  	s23 =	sadd.s32 $0x11800, s9;
	s24 =	sadd.s32 $0x12C00, s9;
	[dreg:$0x11] =	wrdreg s0  }
.Ltmp0:
0x1e: {  	[dreg:$0x12] =	wrdreg s19;
	s25 =	sshrl.u32 s20, $0x3;
	(pc) =	sbr.rel .LBB2_1-.Ltmp0, $4  }
0x1f: {  	s26 =	sshrl.u32 s21, $0x3;
	s28 =	sshrl.u32 s23, $0x3;
	s29 =	sshrl.u32 s24, $0x3  }
0x20: {  	v0 =	vlaneseq.u32;
	s0 =	simm.s32 $0x3;
	s5 =	simm.s32 $0x1000;
	s8 =	simm.s32 $0x50  }
0x21: {  	v1 =	vimm.f32 $1.000000000e+00;
	vm0 =	vmmov $0xffff;
	v2 =	vor.u32 $0x10, v0;
	s12 =	simm.s32 $0x2000;
	s13 =	simm.s32 $0x1;
	s14 =	simm.s32 $0x4800  }
0x22: {  	v3 =	vor.u32 $0x20, v0;
	v4 =	vor.u32 $0x30, v0;
	v5 =	vor.u32 $0x40, v0;
	s15 =	simm.s32 $0x2;
	s16 =	simm.s32 $0x1C00;
	s17 =	simm.s32 $0x0  }
.LBB2_7:
0x23: {  	[bflag:$0x0] =	sbarrier.arrive $0xFFFF  }
0x24: {  	s19 =	rddreg [dreg:$0x6]  }
0x25: {  	[hbm:s19], [sflag:s10] =	dma.local [spmem:s18], $0x2800  }
0x26: {  	_ =	swait.ge [sflag:s0], $0x2800  }
0x27: {  	[sflag:s0] =	ssyncset.done $0x0  }
0x28: {  	s18 =	sshrl.u32 @!p1 s4, $0x3;
	s19 =	rddreg [dreg:$0x5];
	[sflag:s0] =	ssyncadd.s32 $0xFFFFD800  }
0x29: {  	[hbm:s19], [sflag:s10] =	dma.local @!p1 [spmem:s18], $0x500  }
0x2a: {  	s18 =	simm.s32 @!p1 $0x3  }
0x2b: {  	_ =	swait.ge @!p1 [sflag:s18], $0x500  }
0x2c: {  	s17 =	sadd.s32 $0x1, s17;
	s24 =	rddreg [dreg:$0x7]  }
0x2d: {  	p2 =	sne.s32 s17, s24  }
.Ltmp1:
0x2e: {  	_ = 	snop;
	(pc) =	sbr.rel @!p2 .LBB2_8-.Ltmp1, $3  }
0x2f: {  	_ =	sdelay $0x1  }
0x30: {  	[sflag:s18] =	ssyncset.done @!p1 $0x0  }
0x31: {  	[sflag:s18] =	ssyncadd.s32 @!p1 $0xFFFFFB00  }
.LBB2_1:
0x32: {  	s18 =	sshrl.u32 s9, $0x3  }
0x33: {  	[spmem:s18], [sflag:s10] =	dma.local [hbm:s7], $0x280  }
0x34: {  	_ =	swait.ge [sflag:s0], $0x280  }
0x35: {  	[sflag:s0] =	ssyncset.done $0x0  }
0x36: {  	s19 =	rddreg [dreg:$0x8];
	[sflag:s0] =	ssyncadd.s32 $0xFFFFFD80  }
0x37: {  	[spmem:s19], [sflag:s10] =	dma.local [hbm:s7], $0x280  }
0x38: {  	_ =	swait.ge [sflag:s0], $0x280  }
0x39: {  	[sflag:s0] =	ssyncset.done $0x0  }
0x3a: {  	s24 =	rddreg [dreg:$0x9];
	[sflag:s0] =	ssyncadd.s32 $0xFFFFFD80  }
0x3b: {  	[spmem:s24], [sflag:s10] =	dma.local [hbm:s7], $0x280  }
0x3c: {  	_ =	swait.ge [sflag:s0], $0x280  }
0x3d: {  	[sflag:s0] =	ssyncset.done $0x0  }
0x3e: {  	s20 =	rddreg [dreg:$0xa];
	[sflag:s0] =	ssyncadd.s32 $0xFFFFFD80  }
0x3f: {  	[spmem:s20], [sflag:s10] =	dma.local [hbm:s7], $0x280  }
0x40: {  	_ =	swait.ge [sflag:s0], $0x280  }
0x41: {  	[sflag:s0] =	ssyncset.done $0x0  }
0x42: {  	s21 =	rddreg [dreg:$0xb];
	[sflag:s0] =	ssyncadd.s32 $0xFFFFFD80  }
0x43: {  	[spmem:s21], [sflag:s10] =	dma.local [hbm:s7], $0x280  }
0x44: {  	_ =	swait.ge [sflag:s0], $0x280  }
0x45: {  	[sflag:s0] =	ssyncset.done $0x0  }
0x46: {  	s22 =	rddreg [dreg:$0xc];
	[sflag:s0] =	ssyncadd.s32 $0xFFFFFD80  }
0x47: {  	[spmem:s22], [sflag:s10] =	dma.local [hbm:s7], $0x280  }
0x48: {  	_ =	swait.ge [sflag:s0], $0x280  }
0x49: {  	[sflag:s0] =	ssyncset.done $0x0  }
0x4a: {  	s23 =	rddreg [dreg:$0xd];
	[sflag:s0] =	ssyncadd.s32 $0xFFFFFD80  }
0x4b: {  	[spmem:s23], [sflag:s10] =	dma.local [hbm:s7], $0x280  }
0x4c: {  	_ =	swait.ge [sflag:s0], $0x280  }
0x4d: {  	[sflag:s0] =	ssyncset.done $0x0  }
0x4e: {  	s24 =	rddreg [dreg:$0xe];
	[sflag:s0] =	ssyncadd.s32 $0xFFFFFD80  }
0x4f: {  	[spmem:s24], [sflag:s10] =	dma.local [hbm:s7], $0x280  }
0x50: {  	_ =	swait.ge [sflag:s0], $0x280  }
0x51: {  	[sflag:s0] =	ssyncset.done $0x0  }
0x52: {  	s20 =	rddreg [dreg:$0xf];
	[sflag:s0] =	ssyncadd.s32 $0xFFFFFD80  }
0x53: {  	[spmem:s20], [sflag:s10] =	dma.local [hbm:s7], $0x280  }
0x54: {  	_ =	swait.ge [sflag:s0], $0x280  }
0x55: {  	[sflag:s0] =	ssyncset.done $0x0  }
0x56: {  	s21 =	rddreg [dreg:$0x10];
	[sflag:s0] =	ssyncadd.s32 $0xFFFFFD80  }
0x57: {  	[spmem:s21], [sflag:s10] =	dma.local [hbm:s7], $0x280  }
0x58: {  	_ =	swait.ge [sflag:s0], $0x280  }
0x59: {  	[sflag:s0] =	ssyncset.done $0x0  }
0x5a: {  	s22 =	rddreg [dreg:$0x11];
	[sflag:s0] =	ssyncadd.s32 $0xFFFFFD80  }
0x5b: {  	[spmem:s22], [sflag:s10] =	dma.local [hbm:s7], $0x280  }
0x5c: {  	_ =	swait.ge [sflag:s0], $0x280  }
0x5d: {  	[sflag:s0] =	ssyncset.done $0x0  }
0x5e: {  	s23 =	rddreg [dreg:$0x12];
	[sflag:s0] =	ssyncadd.s32 $0xFFFFFD80  }
0x5f: {  	[spmem:s23], [sflag:s10] =	dma.local [hbm:s7], $0x280  }
0x60: {  	_ =	swait.ge [sflag:s0], $0x280  }
0x61: {  	[sflag:s0] =	ssyncset.done $0x0  }
0x62: {  	[sflag:s0] =	ssyncadd.s32 $0xFFFFFD80  }
0x63: {  	[spmem:s25], [sflag:s10] =	dma.local [hbm:s7], $0x280  }
0x64: {  	_ =	swait.ge [sflag:s0], $0x280  }
0x65: {  	[sflag:s0] =	ssyncset.done $0x0  }
0x66: {  	[sflag:s0] =	ssyncadd.s32 $0xFFFFFD80  }
0x67: {  	[spmem:s26], [sflag:s10] =	dma.local [hbm:s7], $0x280  }
0x68: {  	_ =	swait.ge [sflag:s0], $0x280  }
0x69: {  	[sflag:s0] =	ssyncset.done $0x0  }
0x6a: {  	[sflag:s0] =	ssyncadd.s32 $0xFFFFFD80  }
0x6b: {  	[spmem:s28], [sflag:s10] =	dma.local [hbm:s7], $0x280  }
0x6c: {  	_ =	swait.ge [sflag:s0], $0x280  }
0x6d: {  	[sflag:s0] =	ssyncset.done $0x0  }
0x6e: {  	[sflag:s0] =	ssyncadd.s32 $0xFFFFFD80  }
0x6f: {  	[spmem:s29], [sflag:s10] =	dma.local [hbm:s7], $0x280  }
0x70: {  	_ =	swait.ge [sflag:s0], $0x280  }
0x71: {  	[sflag:s0] =	ssyncset.done $0x0  }
0x72: {  	s24 =	simm.s32 $0x0;
	[sflag:s0] =	ssyncadd.s32 $0xFFFFFD80  }
0x73: {  	[tilespmem:s2], [sflag:$0x3] =	stream.linear.gather [hbm4b:s7+s24], $0x1400, $0x38;
	[tilespmem:$0x1DA80] =	vst v63  }
0x74: {  	_ =	swait.ge [sflag:s0], $0x1400  }
0x75: {  	[sflag:s0] =	ssyncset.done $0x0  }
0x76: {  	s20 =	simm.s32 $0x8400;
	[sflag:s0] =	ssyncadd.s32 $0xFFFFEC00  }
0x77: {  	[tilespmem:s20], [sflag:$0x3] =	stream.linear.gather [hbm4b:s7+s24], $0x1400, $0x38;
	[tilespmem:$0x1DA80] =	vst v63  }
0x78: {  	_ =	swait.ge [sflag:s0], $0x1400  }
0x79: {  	[sflag:s0] =	ssyncset.done $0x0  }
0x7a: {  	[sflag:s0] =	ssyncadd.s32 $0xFFFFEC00  }
0x7b: {  	[spmem:s30], [sflag:s10] =	dma.local [hbm:s7], $0x50  }
.Ltmp2:
0x7c: {  	_ =	swait.ge [sflag:s0], $0x50;
	(pc) =	sbr.rel .LBB2_2-.Ltmp2, $4  }
0x7d: {  	[sflag:s0] =	ssyncset.done $0x0  }
0x7e: {  	[sflag:s0] =	ssyncadd.s32 $0xFFFFFFB0  }
0x7f: {  	[bflag:$0x0] =	sbarrier.arrive $0xFFFF  }
0x80: {  	s19 =	simm.s32 $0x0  }
.LBB2_9:
0x81: {  	s19 =	sadd.s32 $0x1, s19  }
0x82: {  	p2 =	seq.s32 s19, $0x5  }
.Ltmp3:
0x83: {  	_ = 	snop;
	(pc) =	sbr.rel @p2 .LBB2_7-.Ltmp3, $1  }
0x84: {  	_ =	sdelay $0x3  }
.LBB2_2:
0x85: {  	s20 =	sshll.u32 s19, $0xC  }
0x86: {  	s20 =	sadd.s32 s31, s20  }
0x87: {  	s21 =	sshrl.u32 s20, $0x3  }
0x88: {  	s20 =	simm.s32 $0x0;
	s22 =	sadd.s32 s11, s21  }
0x89: {  	[tilespmem:s20], [sflag:$0x3] =	stream.linear.gather [hbm4b:s22+s20], $0xC80, $0x38;
	[tilespmem:$0x1DA80] =	vst v63  }
0x8a: {  	_ =	swait.ge [sflag:s0], $0xC80  }
0x8b: {  	[sflag:s0] =	ssyncset.done $0x0  }
0x8c: {  	s21 =	sadd.s32 s6, s21;
	[sflag:s0] =	ssyncadd.s32 $0xFFFFF380  }
0x8d: {  	[tilespmem:s5], [sflag:$0x3] =	stream.linear.gather [hbm4b:s21+s20], $0xC80, $0x38;
	[tilespmem:$0x1DA80] =	vst v63  }
0x8e: {  	_ =	swait.ge [sflag:s0], $0xC80  }
0x8f: {  	[sflag:s0] =	ssyncset.done $0x0  }
0x90: {  	[sflag:s0] =	ssyncadd.s32 $0xFFFFF380  }
0x91: {  	[tilespmem:s12], [sflag:$0x1] =	stream.indirect.gather [hbm4b:s1+s8], $0x80, s20, s8, $0xb8;
	[tilespmem:$0x1DA80] =	vst v63  }
.LBB2_3:
0x92: {  	_ =	swait.ge [sflag:s13], $0x2800  }
0x93: {  	s21 =	sshra.s32 s20, $0x2;
	[sflag:s13] =	ssyncset.done $0x0  }
0x94: {  	s22 =	sadd.s32 $0x80, s21;
	[sflag:s13] =	ssyncadd.s32 $0xFFFFD800  }
0x95: {  	[tilespmem:s14], [sflag:$0x2] =	stream.indirect.gather [hbm4b:s1+s8], $0x80, s22, s8, $0xb8;
	[tilespmem:$0x1DA80] =	vst v63  }
0x96: {  	s24 =	sadd.s32 $0x1000, s21  }
0x97: {  	[spmem:s3] =	stream.indirect.scatter.add.f32 [tilespmem:s12], [sflag:$0x3], $0x80, s24, s8, $0xb8;
	[tilespmem:$0x1DA80] =	vst v63  }
0x98: {  	_ =	swait.ge [sflag:s0], $0x2800  }
0x99: {  	[sflag:s0] =	ssyncset.done $0x0  }
0x9a: {  	s22 =	sshra.s32 @!p0 s20, $0x2;
	[sflag:s0] =	ssyncadd.s32 $0xFFFFD800  }
0x9b: {  	v6 =	vld @!p0 [tilespmem:s22+$0x1000];
	_ =	sdelay $0x6  }
0x9c: {  	v7 =	vimm.f32 @!p0 $1.000000000e+00;
	s23 =	simm.s32 @!p0 $0x7000  }
0x9d: {  	[tilespmem:v6+s23+$0x0] =	vst.idx.add.f32.msk @!p0 $0xffff, v7  }
0x9e: {  	v6 =	vld @!p0 [tilespmem:s22+$0x1010];
	_ =	sdelay $0x7  }
0x9f: {  	[tilespmem:v6+s23+$0x0] =	vst.idx.add.f32.msk @!p0 $0xffff, v7  }
0xa0: {  	v6 =	vld @!p0 [tilespmem:s22+$0x1020];
	_ =	sdelay $0x7  }
0xa1: {  	[tilespmem:v6+s23+$0x0] =	vst.idx.add.f32.msk @!p0 $0xffff, v7  }
0xa2: {  	v6 =	vld @!p0 [tilespmem:s22+$0x1030];
	_ =	sdelay $0x7  }
0xa3: {  	[tilespmem:v6+s23+$0x0] =	vst.idx.add.f32.msk @!p0 $0xffff, v7  }
0xa4: {  	v6 =	vld @!p0 [tilespmem:s22+$0x1040];
	_ =	sdelay $0x7  }
0xa5: {  	[tilespmem:v6+s23+$0x0] =	vst.idx.add.f32.msk @!p0 $0xffff, v7  }
0xa6: {  	_ =	swait.ge [sflag:s15], $0x2800  }
0xa7: {  	[sflag:s15] =	ssyncset.done $0x0  }
0xa8: {  	s24 =	sadd.s32 $0x100, s21;
	[sflag:s15] =	ssyncadd.s32 $0xFFFFD800  }
0xa9: {  	[tilespmem:s12], [sflag:$0x1] =	stream.indirect.gather [hbm4b:s1+s8], $0x80, s24, s8, $0xb8;
	[tilespmem:$0x1DA80] =	vst v63  }
0xaa: {  	s24 =	sadd.s32 $0x1080, s21  }
0xab: {  	[spmem:s3] =	stream.indirect.scatter.add.f32 [tilespmem:s14], [sflag:$0x3], $0x80, s24, s8, $0xb8;
	[tilespmem:$0x1DA80] =	vst v63  }
0xac: {  	_ =	swait.ge [sflag:s0], $0x2800  }
0xad: {  	[sflag:s0] =	ssyncset.done $0x0  }
0xae: {  	[sflag:s0] =	ssyncadd.s32 $0xFFFFD800  }
0xaf: {  	v6 =	vld @!p0 [tilespmem:s21+$0x1080];
	_ =	sdelay $0x7  }
0xb0: {  	[tilespmem:v6+s23+$0x0] =	vst.idx.add.f32.msk @!p0 $0xffff, v7  }
0xb1: {  	v6 =	vld @!p0 [tilespmem:s22+$0x1090];
	_ =	sdelay $0x7  }
0xb2: {  	[tilespmem:v6+s23+$0x0] =	vst.idx.add.f32.msk @!p0 $0xffff, v7  }
0xb3: {  	v6 =	vld @!p0 [tilespmem:s22+$0x10A0];
	_ =	sdelay $0x7  }
0xb4: {  	[tilespmem:v6+s23+$0x0] =	vst.idx.add.f32.msk @!p0 $0xffff, v7  }
0xb5: {  	v6 =	vld @!p0 [tilespmem:s22+$0x10B0];
	_ =	sdelay $0x7  }
0xb6: {  	[tilespmem:v6+s23+$0x0] =	vst.idx.add.f32.msk @!p0 $0xffff, v7  }
0xb7: {  	v6 =	vld @!p0 [tilespmem:s22+$0x10C0];
	_ =	sdelay $0x1  }
0xb8: {  	s20 =	sadd.s32 $0x400, s20  }
0xb9: {  	p2 =	sne.s32 s20, $0x3000  }
.Ltmp4:
0xba: {  	_ = 	snop;
	(pc) =	sbr.rel @p2 .LBB2_3-.Ltmp4, $2  }
0xbb: {  	_ =	sdelay $0x2  }
0xbc: {  	[tilespmem:v6+s23+$0x0] =	vst.idx.add.f32.msk @!p0 $0xffff, v7  }
0xbd: {  	_ =	swait.ge [sflag:s13], $0x2800  }
0xbe: {  	[sflag:s13] =	ssyncset.done $0x0  }
.Ltmp5:
0xbf: {  	[sflag:s13] =	ssyncadd.s32 $0xFFFFD800;
	(pc) =	sbr.rel @p0 .LBB2_9-.Ltmp5, $4  }
0xc0: {  	[spmem:s3] =	stream.indirect.scatter.add.f32 [tilespmem:s12], [sflag:$0x3], $0x80, s16, s8, $0xb8;
	[tilespmem:$0x1DA80] =	vst v63  }
0xc1: {  	_ =	swait.ge [sflag:s0], $0x2800  }
0xc2: {  	[sflag:s0] =	ssyncset.done $0x0  }
0xc3: {  	[sflag:s0] =	ssyncadd.s32 $0xFFFFD800  }
0xc4: {  	v6 =	vld [tilespmem:$0x1C00];
	_ =	sdelay $0x7  }
0xc5: {  	[tilespmem:v6+s2+$0x0] =	vst.idx.add.f32.msk $0xffff, v1  }
0xc6: {  	v6 =	vld [tilespmem:$0x1C10];
	_ =	sdelay $0x7  }
0xc7: {  	[tilespmem:v6+s2+$0x0] =	vst.idx.add.f32.msk $0xffff, v1  }
0xc8: {  	v6 =	vld [tilespmem:$0x1C20];
	_ =	sdelay $0x7  }
0xc9: {  	[tilespmem:v6+s2+$0x0] =	vst.idx.add.f32.msk $0xffff, v1  }
0xca: {  	v6 =	vld [tilespmem:$0x1C30];
	_ =	sdelay $0x7  }
0xcb: {  	[tilespmem:v6+s2+$0x0] =	vst.idx.add.f32.msk $0xffff, v1  }
0xcc: {  	v6 =	vld [tilespmem:$0x1C40];
	_ =	sdelay $0x1  }
0xcd: {  	s19 =	sadd.s32 $0x1, s19  }
0xce: {  	p2 =	seq.s32 s19, $0x5  }
.Ltmp6:
0xcf: {  	_ = 	snop;
	(pc) =	sbr.rel @!p2 .LBB2_2-.Ltmp6, $2  }
0xd0: {  	_ =	sdelay $0x2  }
0xd1: {  	[tilespmem:v6+s2+$0x0] =	vst.idx.add.f32.msk $0xffff, v1  }
0xd2: {  	_ =	sdelay $0x3  }
0xd3: {  	[spmem:s4] =	stream.indirect_vreg.scatter.add.f32 [tilespmem:s2], [sflag:$0x3], $0x80, v0, vm0, $0xb8;
	[tilespmem:$0x1DA80] =	vst v63  }
0xd4: {  	_ =	swait.ge [sflag:s0], $0x800  }
0xd5: {  	[sflag:s0] =	ssyncset.done $0x0  }
0xd6: {  	s19 =	simm.s32 $0x7800;
	[sflag:s0] =	ssyncadd.s32 $0xFFFFF800  }
0xd7: {  	[spmem:s4] =	stream.indirect_vreg.scatter.add.f32 [tilespmem:s19], [sflag:$0x3], $0x80, v2, vm0, $0xb8;
	[tilespmem:$0x1DA80] =	vst v63  }
0xd8: {  	_ =	swait.ge [sflag:s0], $0x800  }
0xd9: {  	[sflag:s0] =	ssyncset.done $0x0  }
0xda: {  	s22 =	simm.s32 $0x8000;
	[sflag:s0] =	ssyncadd.s32 $0xFFFFF800  }
0xdb: {  	[spmem:s4] =	stream.indirect_vreg.scatter.add.f32 [tilespmem:s22], [sflag:$0x3], $0x80, v3, vm0, $0xb8;
	[tilespmem:$0x1DA80] =	vst v63  }
0xdc: {  	_ =	swait.ge [sflag:s0], $0x800  }
0xdd: {  	[sflag:s0] =	ssyncset.done $0x0  }
0xde: {  	s23 =	simm.s32 $0x8800;
	[sflag:s0] =	ssyncadd.s32 $0xFFFFF800  }
0xdf: {  	[spmem:s4] =	stream.indirect_vreg.scatter.add.f32 [tilespmem:s23], [sflag:$0x3], $0x80, v4, vm0, $0xb8;
	[tilespmem:$0x1DA80] =	vst v63  }
0xe0: {  	_ =	swait.ge [sflag:s0], $0x800  }
0xe1: {  	[sflag:s0] =	ssyncset.done $0x0  }
.Ltmp7:
0xe2: {  	s24 =	simm.s32 $0x9000;
	[sflag:s0] =	ssyncadd.s32 $0xFFFFF800;
	(pc) =	sbr.rel .LBB2_7-.Ltmp7, $4  }
0xe3: {  	[spmem:s4] =	stream.indirect_vreg.scatter.add.f32 [tilespmem:s24], [sflag:$0x3], $0x80, v5, vm0, $0xb8;
	[tilespmem:$0x1DA80] =	vst v63  }
0xe4: {  	_ =	swait.ge [sflag:s0], $0x800  }
0xe5: {  	[sflag:s0] =	ssyncset.done $0x0  }
0xe6: {  	[sflag:s0] =	ssyncadd.s32 $0xFFFFF800  }
.LBB2_8:
0xe7: {  	_ =	sfence.sel $0x180000  }
0xe8: {  	[bflag:$0x0] =	sbarrier.arrive $0xFFFF  }
0xe9: {  	_ =	strace $0x90000047  }
0xea: {  	s0 =	stileid.u32;
	[bflag:$0x2] =	sbarrier.arrive $0xFFFF  }
0xeb: {  	p0 =	sne.s32 s0, $0x0;
	s0 =	rddreg [dreg:$0x4]  }
0xec: {  	s0 =	sadd.s32 @!p0 $0x100000, s0  }
0xed: {  	[sflag:s0] =	ssyncadd.tile.s32 @!p0 $0x1;
	_ =	shalt  }
.Lfunc_end2:
_tile_overlayer_lowered:
.L_overlay_start_2:
0xee: {  	(tag) =	ssettag $0x2  }
0xef: {  	s0 =	rddreg [dreg:$0x0];
	s2 =	stileid.u32  }
0xf0: {  	s1 =	rddreg [dreg:$0x1];
	p0 =	sne.s32 s2, $0x0  }
0xf1: {  	s3 =	rddreg [dreg:$0x2];
	[bflag:$0x3] =	sbarrier.arrive $0xFFFF;
	s2 =	simm.s32 @!p0 $0x1C03  }
0xf2: {  	[timem:s3], [sflag:s2] =	dma.local @!p0 [hbm:s0], s1  }
0xf3: {  	s0 =	simm.s32 @!p0 $0x3  }
0xf4: {  	_ =	swait.ge @!p0 [sflag:s0], s1  }
0xf5: {  	s1 =	ssub.s32 @!p0 $0x0, s1;
	[sflag:s0] =	ssyncset.done @!p0 $0x0  }
0xf6: {  	[sflag:s0] =	ssyncadd.s32 @!p0 s1  }
0xf7: {  	[bflag:$0x3] =	sbarrier.arrive $0xFFFF  }
0xf8: {  	_ =	shalt  }

</sc_bundles>
